<compile_context>
chip_gen: v7x
topology: tpu7x:2x2x1
jax: 0.10.2.dev20260603
libtpu: 0.0.44.dev20260713+nightly
codegen_flags: <defaults>
</compile_context>

<pallas_src>
import jax
import jax.numpy as jnp
from jax import lax
from jax.experimental import pallas as pl
from jax.experimental.pallas import tpu as pltpu
from jax.experimental.pallas import tpu_sc as plsc

N = 3000
F = 512
H = 512
E = 96000
NPAD = 3072
EPAD = 98304
NW = 32
EPW = EPAD // NW
EB = 128
NB = EPW // EB
RPS = NPAD // 16
NQ = 4
WQ = H // NQ

_MESH = plsc.VectorSubcoreMesh(core_axis_name="c", subcore_axis_name="s")



def _tc1_body(x_ref, w_ref, b_ref, x0_ref):
    x0 = lax.dot_general(x_ref[...], w_ref[...], (((1,), (1,)), ((), ())),
                         preferred_element_type=jnp.float32)
    x0_ref[...] = jnp.maximum(x0 + b_ref[...], 0.0)


def _tc1(x, fc0_W, fc0_b2):
    return pl.pallas_call(
        _tc1_body,
        out_shape=jax.ShapeDtypeStruct((N, F), jnp.float32),
    )(x, fc0_W, fc0_b2)


def _tc2_body(xtr_ref, tv_ref, wih_ref, whh_ref, bih_ref, bhh_ref,
              h0_ref, x0_ref, deg_ref, xws0_ref, xws1_ref, xws2_ref,
              xws3_ref, dis_ref):
    xt = xtr_ref[...] * tv_ref[...]
    gi = lax.dot_general(xt, wih_ref[...], (((1,), (1,)), ((), ())),
                         preferred_element_type=jnp.float32) + bih_ref[...]
    h0 = h0_ref[...]
    gh = lax.dot_general(h0, whh_ref[...], (((1,), (1,)), ((), ())),
                         preferred_element_type=jnp.float32) + bhh_ref[...]
    r = jax.nn.sigmoid(gi[:, :H] + gh[:, :H])
    z = jax.nn.sigmoid(gi[:, H:2 * H] + gh[:, H:2 * H])
    nn_ = jnp.tanh(gi[:, 2 * H:] + r * gh[:, 2 * H:])
    W = (1.0 - z) * nn_ + z * h0
    xw = lax.dot_general(x0_ref[...], W, (((1,), (0,)), ((), ())),
                         preferred_element_type=jnp.float32)
    deg = deg_ref[0] + deg_ref[1]
    degsum = jnp.sum(deg, axis=1, keepdims=True)[:N] * (1.0 / 128.0) + 1.0
    dis = lax.rsqrt(degsum)
    xws = xw * dis
    xws0_ref[...] = xws[:, 0 * WQ:1 * WQ]
    xws1_ref[...] = xws[:, 1 * WQ:2 * WQ]
    xws2_ref[...] = xws[:, 2 * WQ:3 * WQ]
    xws3_ref[...] = xws[:, 3 * WQ:4 * WQ]
    dis_ref[...] = dis


def _tc2(xperm, topv2, wih, whh, bih2, bhh2, h0, x0, deg128):
    return pl.pallas_call(
        _tc2_body,
        out_shape=[jax.ShapeDtypeStruct((N, WQ), jnp.float32)] * NQ
        + [jax.ShapeDtypeStruct((N, 1), jnp.float32)],
    )(xperm, topv2, wih, whh, bih2, bhh2, h0, x0, deg128)


def _tc3_body(y0_ref, y1_ref, y2_ref, y3_ref, xws0_ref, xws1_ref, xws2_ref,
              xws3_ref, dis_ref, fw_ref, fb_ref, h_ref, o_ref):
    parts = []
    for y_ref, xws_ref in ((y0_ref, xws0_ref), (y1_ref, xws1_ref),
                           (y2_ref, xws2_ref), (y3_ref, xws3_ref)):
        parts.append(y_ref[0, :N, :] + y_ref[1, :N, :] + xws_ref[...])
    h = dis_ref[...] * jnp.concatenate(parts, axis=1)
    h_ref[...] = h
    o128 = lax.dot_general(jnp.maximum(h, 0.0), fw_ref[...],
                           (((1,), (1,)), ((), ())),
                           preferred_element_type=jnp.float32)
    o_ref[...] = o128[:, :1] + fb_ref[0, 0]


def _tc3(ys, xwss, dis, fc_Wpad, fc_b2):
    return pl.pallas_call(
        _tc3_body,
        out_shape=[jax.ShapeDtypeStruct((N, H), jnp.float32),
                   jax.ShapeDtypeStruct((N, 1), jnp.float32)],
    )(*ys, *xwss, dis, fc_Wpad, fc_b2)



def _sc1_body(dst2_hbm, perm_hbm, x0_hbm, zerosQ_hbm, ones128_hbm,
              deg_out, xperm_out, didx_v, ones_v, pidx_v, prow_v, deg_sh,
              sem, psem):
    c = lax.axis_index("c")
    s = lax.axis_index("s")
    wid = s * 2 + c
    pltpu.sync_copy(zerosQ_hbm.at[pl.ds(s * RPS, RPS)],
                    deg_sh.at[pl.ds(s * RPS, RPS)])
    pltpu.sync_copy(ones128_hbm, ones_v)
    pltpu.sync_copy(dst2_hbm.at[pl.ds(wid * NB, NB)], didx_v)
    pltpu.sync_copy(perm_hbm.at[pl.ds(wid * 16, 16)], pidx_v)
    gcp = pltpu.async_copy(x0_hbm.at[pidx_v], prow_v, psem)
    plsc.subcore_barrier()

    def fire(i, carry):
        pltpu.async_copy(ones_v, deg_sh.at[didx_v.at[i]], sem, add=True)
        return carry

    lax.fori_loop(0, NB, fire, 0)

    def drain(i, carry):
        pltpu.make_async_copy(ones_v, deg_sh.at[didx_v.at[i]], sem).wait()
        return carry

    lax.fori_loop(0, NB, drain, 0)
    plsc.subcore_barrier()
    pltpu.sync_copy(deg_sh.at[pl.ds(s * RPS, RPS)],
                    deg_out.at[c, pl.ds(s * RPS, RPS)])
    gcp.wait()
    pltpu.sync_copy(prow_v, xperm_out.at[pl.ds(wid * 16, 16)])


_sc1 = pl.kernel(
    _sc1_body,
    out_type=[jax.ShapeDtypeStruct((2, NPAD, 128), jnp.float32),
              jax.ShapeDtypeStruct((H, F), jnp.float32)],
    mesh=_MESH,
    scratch_types=[pltpu.VMEM((NB, EB), jnp.int32),
                   pltpu.VMEM((EB, 128), jnp.float32),
                   pltpu.VMEM((16,), jnp.int32),
                   pltpu.VMEM((16, F), jnp.float32),
                   pltpu.VMEM_SHARED((NPAD, 128), jnp.float32),
                   pltpu.SemaphoreType.DMA,
                   pltpu.SemaphoreType.DMA],
)


def _sc2_body(src2_hbm, dst2_hbm, xws0_hbm, xws1_hbm, xws2_hbm, xws3_hbm,
              zerosQ_hbm, y0_out, y1_out, y2_out, y3_out,
              sidx_v, didx_v, rows_v, y_sh, sem0, sem1):
    c = lax.axis_index("c")
    s = lax.axis_index("s")
    wid = s * 2 + c
    pltpu.sync_copy(src2_hbm.at[pl.ds(wid * NB, NB)], sidx_v)
    pltpu.sync_copy(dst2_hbm.at[pl.ds(wid * NB, NB)], didx_v)
    for xws_hbm, y_out in ((xws0_hbm, y0_out), (xws1_hbm, y1_out),
                           (xws2_hbm, y2_out), (xws3_hbm, y3_out)):
        pltpu.sync_copy(zerosQ_hbm.at[pl.ds(s * RPS, RPS)],
                        y_sh.at[pl.ds(s * RPS, RPS)])
        plsc.subcore_barrier()
        pltpu.async_copy(xws_hbm.at[sidx_v.at[0]], rows_v.at[0], sem0)

        def body(j, carry):
            i0 = 2 * j
            pltpu.async_copy(xws_hbm.at[sidx_v.at[i0 + 1]], rows_v.at[1],
                             sem1)
            pltpu.make_async_copy(xws_hbm.at[sidx_v.at[i0]], rows_v.at[0],
                                  sem0).wait()
            pltpu.sync_copy(rows_v.at[0], y_sh.at[didx_v.at[i0]], add=True)

            @pl.when(j < NB // 2 - 1)
            def _():
                pltpu.async_copy(xws_hbm.at[sidx_v.at[i0 + 2]], rows_v.at[0],
                                 sem0)

            pltpu.make_async_copy(xws_hbm.at[sidx_v.at[i0 + 1]],
                                  rows_v.at[1], sem1).wait()
            pltpu.sync_copy(rows_v.at[1], y_sh.at[didx_v.at[i0 + 1]],
                            add=True)
            return carry

        lax.fori_loop(0, NB // 2, body, 0)
        plsc.subcore_barrier()
        pltpu.sync_copy(y_sh.at[pl.ds(s * RPS, RPS)],
                        y_out.at[c, pl.ds(s * RPS, RPS)])


_sc2 = pl.kernel(
    _sc2_body,
    out_type=[jax.ShapeDtypeStruct((2, NPAD, WQ), jnp.float32)] * NQ,
    mesh=_MESH,
    scratch_types=[pltpu.VMEM((NB, EB), jnp.int32),
                   pltpu.VMEM((NB, EB), jnp.int32),
                   pltpu.VMEM((2, EB, WQ), jnp.float32),
                   pltpu.VMEM_SHARED((NPAD, WQ), jnp.float32),
                   pltpu.SemaphoreType.DMA,
                   pltpu.SemaphoreType.DMA],
)



@jax.jit
def kernel(x, edge_index, fc0_W, fc0_b, pool_p, gru_Wih, gru_Whh,
           gru_bih, gru_bhh, init_W, fc_W, fc_b):
    pad = EPAD - E
    src2 = jnp.concatenate([edge_index[0],
                            jnp.zeros((pad,), edge_index.dtype)]
                           ).reshape(NW * NB, EB)
    dst2 = jnp.concatenate([edge_index[1],
                            jnp.full((pad,), NPAD - 1, edge_index.dtype)]
                           ).reshape(NW * NB, EB)
    ones128 = jnp.ones((EB, 128), jnp.float32)
    zerosQ = jnp.zeros((NPAD, WQ), jnp.float32)

    x0s = jax.nn.relu(x @ fc0_W.T + fc0_b)
    score = jnp.tanh((x0s @ pool_p) / jnp.linalg.norm(pool_p))
    topv, perm = lax.top_k(score, H)

    x0 = _tc1(x, fc0_W, fc0_b.reshape(1, H))
    deg128, xperm = _sc1(dst2, perm, x0, zerosQ, ones128)
    *xwss, dis = _tc2(xperm, topv.reshape(H, 1),
                      gru_Wih, gru_Whh, gru_bih.reshape(1, 3 * H),
                      gru_bhh.reshape(1, 3 * H), init_W[0], x0, deg128)
    ys = _sc2(src2, dst2, *xwss, zerosQ)
    fc_Wpad = jnp.concatenate([fc_W, jnp.zeros((127, H), jnp.float32)], axis=0)
    h, out2 = _tc3(ys, xwss, dis, fc_Wpad, fc_b.reshape(1, 1))
    return (out2[:, 0], h)

# --- scband reference (transcript-rebuilt; emitter-appended) ---
"""Pipeline reference for scband-recurrent-evolve-gcnh-54202487275557 (READ-ONLY COPY).

The authoritative reference and input builder live on the scoring server;
editing this copy changes nothing except your own understanding.
"""

import jax, jax.numpy as jnp
import numpy as np

N = 3000
F_IN = 512
H = 512
E = 96000


def setup_inputs(seed: int = 0) -> dict:
    key = jax.random.key(seed)
    ks = jax.random.split(key, 12)
    inp = {}
    inp["x"] = jax.random.normal(ks[0], (N, F_IN), dtype=jnp.float32)
    inp["edge_index"] = jax.random.randint(ks[1], (2, E), 0, N, dtype=jnp.int32)
    s0 = 1.0 / np.sqrt(F_IN)
    inp["fc0_W"] = jax.random.uniform(ks[2], (H, F_IN), minval=-s0, maxval=s0, dtype=jnp.float32)
    inp["fc0_b"] = jax.random.uniform(ks[3], (H,), minval=-s0, maxval=s0, dtype=jnp.float32)
    inp["pool_p"] = jax.random.uniform(ks[4], (H,), minval=-1.0/np.sqrt(H), maxval=1.0/np.sqrt(H), dtype=jnp.float32)
    sg = 1.0 / np.sqrt(H)
    inp["gru_Wih"] = jax.random.uniform(ks[5], (3 * H, H), minval=-sg, maxval=sg, dtype=jnp.float32)
    inp["gru_Whh"] = jax.random.uniform(ks[6], (3 * H, H), minval=-sg, maxval=sg, dtype=jnp.float32)
    inp["gru_bih"] = jax.random.uniform(ks[7], (3 * H,), minval=-sg, maxval=sg, dtype=jnp.float32)
    inp["gru_bhh"] = jax.random.uniform(ks[8], (3 * H,), minval=-sg, maxval=sg, dtype=jnp.float32)
    glorot = np.sqrt(6.0 / (H + H))
    inp["init_W"] = jax.random.uniform(ks[9], (1, H, H), minval=-glorot, maxval=glorot, dtype=jnp.float32)
    sf = 1.0 / np.sqrt(H)
    inp["fc_W"] = jax.random.uniform(ks[10], (1, H), minval=-sf, maxval=sf, dtype=jnp.float32)
    inp["fc_b"] = jax.random.uniform(ks[11], (1,), minval=-sf, maxval=sf, dtype=jnp.float32)
    return inp


def _forward(x, edge_index, fc0_W, fc0_b, pool_p, gru_Wih, gru_Whh, gru_bih, gru_bhh, init_W, fc_W, fc_b):
    n_in = x.shape[0]
    # reshape/pad to 3000 rows (identity here since n_in == N)
    if n_in < N:
        x = jnp.concatenate([x, jnp.zeros((N - n_in, x.shape[1]), dtype=x.dtype)], axis=0)
    # fc0 + relu
    x0 = jax.nn.relu(x @ fc0_W.T + fc0_b)
    # ---- EvolveGCNH ----
    # TopKPooling: score = tanh((x . p)/||p||), keep top ceil(ratio*N) = H nodes
    score = (x0 @ pool_p) / jnp.linalg.norm(pool_p)
    score = jnp.tanh(score)
    topv, perm = jax.lax.top_k(score, H)
    x_tilde = x0[perm] * topv[:, None]  # (H, H): seq_len=1, batch=H, feat=H
    # GRU step (torch gate order r, z, n); hidden state = evolving GCN weight
    h0 = init_W[0]  # (H, H)
    gi = x_tilde @ gru_Wih.T + gru_bih
    gh = h0 @ gru_Whh.T + gru_bhh
    i_r, i_z, i_n = jnp.split(gi, 3, axis=1)
    h_r, h_z, h_n = jnp.split(gh, 3, axis=1)
    r = jax.nn.sigmoid(i_r + h_r)
    z = jax.nn.sigmoid(i_z + h_z)
    nn_ = jnp.tanh(i_n + r * h_n)
    W = (1.0 - z) * nn_ + z * h0  # evolved GCN weight (H, H)
    # GCNConv_Fixed_W: gcn_norm with self loops, then propagate
    loop = jnp.arange(N, dtype=edge_index.dtype)
    src = jnp.concatenate([edge_index[0], loop])
    dst = jnp.concatenate([edge_index[1], loop])
    ew = jnp.ones(src.shape[0], dtype=jnp.float32)
    deg = jax.ops.segment_sum(ew, dst, num_segments=N)
    dis = jnp.where(deg > 0, 1.0 / jnp.sqrt(deg), 0.0)
    norm = dis[src] * ew * dis[dst]
    xw = x0 @ W
    h = jax.ops.segment_sum(xw[src] * norm[:, None], dst, num_segments=N)
    # head
    out = jax.nn.relu(h) @ fc_W.T + fc_b
    out = out[:n_in]
    out = jnp.squeeze(out)
    return out, h


def reference(x, edge_index, fc0_W, fc0_b, pool_p, gru_Wih, gru_Whh, gru_bih, gru_bhh, init_W, fc_W, fc_b):
    out, h = _forward(x, edge_index, fc0_W, fc0_b, pool_p, gru_Wih, gru_Whh, gru_bih, gru_bhh, init_W, fc_W, fc_b)
    return (out, jax.lax.stop_gradient(h))

if __name__ == "__main__":
    import jax
    _d = setup_inputs()
    print(jax.jit(kernel)(*tuple(_d.values())))

</pallas_src>

<mosaic_0001>
#map = affine_map<(d0, d1) -> (0, 0)>
#map1 = affine_map<(d0, d1) -> (0, 0, 0)>
module attributes {stable_mosaic.version = 14 : i64} {
  func.func @_sc2_body(%arg0: i32, %arg1: i32, %arg2: memref<768x128xi32, #tpu.memory_space<hbm>>, %arg3: memref<768x128xi32, #tpu.memory_space<hbm>>, %arg4: memref<3000x128xf32, #tpu.memory_space<hbm>>, %arg5: memref<3000x128xf32, #tpu.memory_space<hbm>>, %arg6: memref<3000x128xf32, #tpu.memory_space<hbm>>, %arg7: memref<3000x128xf32, #tpu.memory_space<hbm>>, %arg8: memref<3072x128xf32, #tpu.memory_space<hbm>>, %arg9: memref<2x3072x128xf32, #tpu.memory_space<hbm>>, %arg10: memref<2x3072x128xf32, #tpu.memory_space<hbm>>, %arg11: memref<2x3072x128xf32, #tpu.memory_space<hbm>>, %arg12: memref<2x3072x128xf32, #tpu.memory_space<hbm>>, %arg13: memref<24x128xi32, #tpu.memory_space<vmem>>, %arg14: memref<24x128xi32, #tpu.memory_space<vmem>>, %arg15: memref<2x128x128xf32, #tpu.memory_space<vmem>>, %arg16: memref<3072x128xf32, #tpu.memory_space<vmem_shared>>, %arg17: memref<!tpu.dma_semaphore, #tpu.memory_space<semaphore_mem>>, %arg18: memref<!tpu.dma_semaphore, #tpu.memory_space<semaphore_mem>>) attributes {dimension_semantics = [#tpu.dimension_semantics<core_parallel>, #tpu.dimension_semantics<subcore_parallel>], iteration_bounds = array<i64: 2, 16>, scalar_prefetch = 0 : i64, scratch_operands = 6 : i64, tpu.core_type = #tpu.core_type<sc_vector_subcore>, window_params = [{transform_indices = #map}, {transform_indices = #map}, {transform_indices = #map}, {transform_indices = #map}, {transform_indices = #map}, {transform_indices = #map}, {transform_indices = #map}, {transform_indices = #map1}, {transform_indices = #map1}, {transform_indices = #map1}, {transform_indices = #map1}]} {
    %mul3A = arith.constant 2 : i32
    %mul3A_0 = arith.muli %arg1, %mul3A : i32
    %add3A = arith.addi %mul3A_0, %arg0 : i32
    %mul3A_1 = arith.constant 24 : i32
    %mul3A_2 = arith.muli %add3A, %mul3A_1 : i32
    "tpu.region"() ({
      %run_scoped3A = tpu.sem_alloc : memref<!tpu.dma_semaphore, #tpu.memory_space<semaphore_mem>>
      %dma_start3A_114 = arith.constant 0 : i32
      %dma_start3A_115 = tpu.memref_slice %arg2[%mul3A_2, %dma_start3A_114] : memref<768x128xi32, #tpu.memory_space<hbm>> -> memref<24x128xi32, #tpu.memory_space<hbm>>
      %dma_start3A_116 = arith.constant 0 : i32
      %dma_start3A_117 = tpu.memref_slice %arg2[%mul3A_2, %dma_start3A_116] : memref<768x128xi32, #tpu.memory_space<hbm>> -> memref<24x128xi32, #tpu.memory_space<hbm>>
      tpu.enqueue_dma source(%dma_start3A_117 : memref<24x128xi32, #tpu.memory_space<hbm>>) target(%arg13 : memref<24x128xi32, #tpu.memory_space<vmem>>) target_semaphore(%run_scoped3A : memref<!tpu.dma_semaphore, #tpu.memory_space<semaphore_mem>>)
      %dma_wait3A = arith.constant 0 : i32
      %dma_wait3A_118 = tpu.memref_slice %arg2[%mul3A_2, %dma_wait3A] : memref<768x128xi32, #tpu.memory_space<hbm>> -> memref<24x128xi32, #tpu.memory_space<hbm>>
      %dma_wait3A_119 = arith.constant 0 : i32
      %dma_wait3A_120 = tpu.memref_slice %arg2[%mul3A_2, %dma_wait3A_119] : memref<768x128xi32, #tpu.memory_space<hbm>> -> memref<24x128xi32, #tpu.memory_space<hbm>>
      tpu.wait_dma2 semaphore(%run_scoped3A : memref<!tpu.dma_semaphore, #tpu.memory_space<semaphore_mem>>) src(%dma_wait3A_120 : memref<24x128xi32, #tpu.memory_space<hbm>>) dst(%arg13 : memref<24x128xi32, #tpu.memory_space<vmem>>)
      tpu.yield
    }) : () -> ()
    %mul3A_3 = arith.constant 24 : i32
    %mul3A_4 = arith.muli %add3A, %mul3A_3 : i32
    "tpu.region"() ({
      %run_scoped3A = tpu.sem_alloc : memref<!tpu.dma_semaphore, #tpu.memory_space<semaphore_mem>>
      %dma_start3A_114 = arith.constant 0 : i32
      %dma_start3A_115 = tpu.memref_slice %arg3[%mul3A_4, %dma_start3A_114] : memref<768x128xi32, #tpu.memory_space<hbm>> -> memref<24x128xi32, #tpu.memory_space<hbm>>
      %dma_start3A_116 = arith.constant 0 : i32
      %dma_start3A_117 = tpu.memref_slice %arg3[%mul3A_4, %dma_start3A_116] : memref<768x128xi32, #tpu.memory_space<hbm>> -> memref<24x128xi32, #tpu.memory_space<hbm>>
      tpu.enqueue_dma source(%dma_start3A_117 : memref<24x128xi32, #tpu.memory_space<hbm>>) target(%arg14 : memref<24x128xi32, #tpu.memory_space<vmem>>) target_semaphore(%run_scoped3A : memref<!tpu.dma_semaphore, #tpu.memory_space<semaphore_mem>>)
      %dma_wait3A = arith.constant 0 : i32
      %dma_wait3A_118 = tpu.memref_slice %arg3[%mul3A_4, %dma_wait3A] : memref<768x128xi32, #tpu.memory_space<hbm>> -> memref<24x128xi32, #tpu.memory_space<hbm>>
      %dma_wait3A_119 = arith.constant 0 : i32
      %dma_wait3A_120 = tpu.memref_slice %arg3[%mul3A_4, %dma_wait3A_119] : memref<768x128xi32, #tpu.memory_space<hbm>> -> memref<24x128xi32, #tpu.memory_space<hbm>>
      tpu.wait_dma2 semaphore(%run_scoped3A : memref<!tpu.dma_semaphore, #tpu.memory_space<semaphore_mem>>) src(%dma_wait3A_120 : memref<24x128xi32, #tpu.memory_space<hbm>>) dst(%arg14 : memref<24x128xi32, #tpu.memory_space<vmem>>)
      tpu.yield
    }) : () -> ()
    %mul3A_5 = arith.constant 192 : i32
    %mul3A_6 = arith.muli %arg1, %mul3A_5 : i32
    %mul3A_7 = arith.constant 192 : i32
    %mul3A_8 = arith.muli %arg1, %mul3A_7 : i32
    "tpu.region"() ({
      %run_scoped3A = tpu.sem_alloc : memref<!tpu.dma_semaphore, #tpu.memory_space<semaphore_mem>>
      %dma_start3A_114 = arith.constant 0 : i32
      %dma_start3A_115 = tpu.memref_slice %arg16[%mul3A_8, %dma_start3A_114] : memref<3072x128xf32, #tpu.memory_space<vmem_shared>> -> memref<192x128xf32, #tpu.memory_space<vmem_shared>>
      %dma_start3A_116 = arith.constant 0 : i32
      %dma_start3A_117 = tpu.memref_slice %arg8[%mul3A_6, %dma_start3A_116] : memref<3072x128xf32, #tpu.memory_space<hbm>> -> memref<192x128xf32, #tpu.memory_space<hbm>>
      tpu.enqueue_dma source(%dma_start3A_117 : memref<192x128xf32, #tpu.memory_space<hbm>>) target(%dma_start3A_115 : memref<192x128xf32, #tpu.memory_space<vmem_shared>>) target_semaphore(%run_scoped3A : memref<!tpu.dma_semaphore, #tpu.memory_space<semaphore_mem>>)
      %dma_wait3A = arith.constant 0 : i32
      %dma_wait3A_118 = tpu.memref_slice %arg16[%mul3A_8, %dma_wait3A] : memref<3072x128xf32, #tpu.memory_space<vmem_shared>> -> memref<192x128xf32, #tpu.memory_space<vmem_shared>>
      %dma_wait3A_119 = arith.constant 0 : i32
      %dma_wait3A_120 = tpu.memref_slice %arg8[%mul3A_6, %dma_wait3A_119] : memref<3072x128xf32, #tpu.memory_space<hbm>> -> memref<192x128xf32, #tpu.memory_space<hbm>>
      tpu.wait_dma2 semaphore(%run_scoped3A : memref<!tpu.dma_semaphore, #tpu.memory_space<semaphore_mem>>) src(%dma_wait3A_120 : memref<192x128xf32, #tpu.memory_space<hbm>>) dst(%dma_wait3A_118 : memref<192x128xf32, #tpu.memory_space<vmem_shared>>)
      tpu.yield
    }) : () -> ()
    %barrier3A = arith.constant 0 : index
    tpu.barrier barrier_id(%barrier3A)
    %dma_start3A = arith.constant 0 : i32
    %dma_start3A_9 = arith.constant 0 : i32
    %dma_start3A_10 = arith.constant 0 : i32
    %dma_start3A_11 = arith.constant 0 : i32
    %dma_start3A_12 = tpu.memref_slice %arg15[%dma_start3A_9, %dma_start3A_10, %dma_start3A_11] : memref<2x128x128xf32, #tpu.memory_space<vmem>> -> memref<1x128x128xf32, #tpu.memory_space<vmem>>
    %dma_start3A_13 = tpu.memref_squeeze %dma_start3A_12 : memref<1x128x128xf32, #tpu.memory_space<vmem>> -> memref<128x128xf32, #tpu.memory_space<vmem>>
    %dma_start3A_14 = arith.constant 0 : i32
    %dma_start3A_15 = tpu.memref_slice %arg13[%dma_start3A, %dma_start3A_14] : memref<24x128xi32, #tpu.memory_space<vmem>> -> memref<1x128xi32, #tpu.memory_space<vmem>>
    %dma_start3A_16 = tpu.memref_squeeze %dma_start3A_15 : memref<1x128xi32, #tpu.memory_space<vmem>> -> memref<128xi32, #tpu.memory_space<vmem>>
    %dma_start3A_17 = arith.constant 0 : i32
    %dma_start3A_18 = arith.constant 0 : i32
    %dma_start3A_19 = tpu.memref_slice %arg4[%dma_start3A_17, %dma_start3A_18] : memref<3000x128xf32, #tpu.memory_space<hbm>> -> memref<3000x128xf32, #tpu.memory_space<hbm>>
    tpu.enqueue_indirect_dma source(%dma_start3A_19 : memref<3000x128xf32, #tpu.memory_space<hbm>>) target(%dma_start3A_13 : memref<128x128xf32, #tpu.memory_space<vmem>>) offsets(%dma_start3A_16 : memref<128xi32, #tpu.memory_space<vmem>>) semaphore(%arg17 : memref<!tpu.dma_semaphore, #tpu.memory_space<semaphore_mem>>)
    %scan3A = arith.constant 0 : i32
    %scan3A_20 = arith.constant 0 : i32
    %scan3A_21 = arith.constant 12 : i32
    %scan3A_22 = arith.addi %scan3A_20, %scan3A_21 : i32
    %scan3A_23 = arith.constant 1 : i32
    scf.for %scan3A_114 = %scan3A_20 to %scan3A_22 step %scan3A_23  : i32 {
      %mul3A_115 = arith.constant 2 : i32
      %mul3A_116 = arith.muli %mul3A_115, %scan3A_114 : i32
      %add3A_117 = arith.constant 1 : i32
      %add3A_118 = arith.addi %mul3A_116, %add3A_117 : i32
      %dma_start3A_119 = arith.constant 1 : i32
      %dma_start3A_120 = arith.constant 0 : i32
      %dma_start3A_121 = arith.constant 0 : i32
      %dma_start3A_122 = tpu.memref_slice %arg15[%dma_start3A_119, %dma_start3A_120, %dma_start3A_121] : memref<2x128x128xf32, #tpu.memory_space<vmem>> -> memref<1x128x128xf32, #tpu.memory_space<vmem>>
      %dma_start3A_123 = tpu.memref_squeeze %dma_start3A_122 : memref<1x128x128xf32, #tpu.memory_space<vmem>> -> memref<128x128xf32, #tpu.memory_space<vmem>>
      %dma_start3A_124 = arith.constant 0 : i32
      %dma_start3A_125 = tpu.memref_slice %arg13[%add3A_118, %dma_start3A_124] : memref<24x128xi32, #tpu.memory_space<vmem>> -> memref<1x128xi32, #tpu.memory_space<vmem>>
      %dma_start3A_126 = tpu.memref_squeeze %dma_start3A_125 : memref<1x128xi32, #tpu.memory_space<vmem>> -> memref<128xi32, #tpu.memory_space<vmem>>
      %dma_start3A_127 = arith.constant 0 : i32
      %dma_start3A_128 = arith.constant 0 : i32
      %dma_start3A_129 = tpu.memref_slice %arg4[%dma_start3A_127, %dma_start3A_128] : memref<3000x128xf32, #tpu.memory_space<hbm>> -> memref<3000x128xf32, #tpu.memory_space<hbm>>
      tpu.enqueue_indirect_dma source(%dma_start3A_129 : memref<3000x128xf32, #tpu.memory_space<hbm>>) target(%dma_start3A_123 : memref<128x128xf32, #tpu.memory_space<vmem>>) offsets(%dma_start3A_126 : memref<128xi32, #tpu.memory_space<vmem>>) semaphore(%arg18 : memref<!tpu.dma_semaphore, #tpu.memory_space<semaphore_mem>>)
      %dma_wait3A = arith.constant 0 : i32
      %dma_wait3A_130 = arith.constant 0 : i32
      %dma_wait3A_131 = arith.constant 0 : i32
      %dma_wait3A_132 = tpu.memref_slice %arg15[%dma_wait3A, %dma_wait3A_130, %dma_wait3A_131] : memref<2x128x128xf32, #tpu.memory_space<vmem>> -> memref<1x128x128xf32, #tpu.memory_space<vmem>>
      %dma_wait3A_133 = tpu.memref_squeeze %dma_wait3A_132 : memref<1x128x128xf32, #tpu.memory_space<vmem>> -> memref<128x128xf32, #tpu.memory_space<vmem>>
      %dma_wait3A_134 = arith.constant 0 : i32
      %dma_wait3A_135 = tpu.memref_slice %arg13[%mul3A_116, %dma_wait3A_134] : memref<24x128xi32, #tpu.memory_space<vmem>> -> memref<1x128xi32, #tpu.memory_space<vmem>>
      %dma_wait3A_136 = tpu.memref_squeeze %dma_wait3A_135 : memref<1x128xi32, #tpu.memory_space<vmem>> -> memref<128xi32, #tpu.memory_space<vmem>>
      %dma_wait3A_137 = arith.constant 0 : i32
      %dma_wait3A_138 = arith.constant 0 : i32
      %dma_wait3A_139 = tpu.memref_slice %arg4[%dma_wait3A_137, %dma_wait3A_138] : memref<3000x128xf32, #tpu.memory_space<hbm>> -> memref<3000x128xf32, #tpu.memory_space<hbm>>
      tpu.wait_indirect_dma semaphore(%arg17 : memref<!tpu.dma_semaphore, #tpu.memory_space<semaphore_mem>>) src(%dma_wait3A_139 : memref<3000x128xf32, #tpu.memory_space<hbm>>) dst(%dma_wait3A_133 : memref<128x128xf32, #tpu.memory_space<vmem>>)
      %run_scoped3A = arith.constant 0 : i32
      "tpu.region"() ({
        %run_scoped3A_158 = tpu.sem_alloc : memref<!tpu.dma_semaphore, #tpu.memory_space<semaphore_mem>>
        %dma_start3A_159 = arith.constant 0 : i32
        %dma_start3A_160 = arith.constant 0 : i32
        %dma_start3A_161 = tpu.memref_slice %arg15[%run_scoped3A, %dma_start3A_159, %dma_start3A_160] : memref<2x128x128xf32, #tpu.memory_space<vmem>> -> memref<1x128x128xf32, #tpu.memory_space<vmem>>
        %dma_start3A_162 = tpu.memref_squeeze %dma_start3A_161 : memref<1x128x128xf32, #tpu.memory_space<vmem>> -> memref<128x128xf32, #tpu.memory_space<vmem>>
        %dma_start3A_163 = arith.constant 0 : i32
        %dma_start3A_164 = tpu.memref_slice %arg14[%mul3A_116, %dma_start3A_163] : memref<24x128xi32, #tpu.memory_space<vmem>> -> memref<1x128xi32, #tpu.memory_space<vmem>>
        %dma_start3A_165 = tpu.memref_squeeze %dma_start3A_164 : memref<1x128xi32, #tpu.memory_space<vmem>> -> memref<128xi32, #tpu.memory_space<vmem>>
        %dma_start3A_166 = arith.constant 0 : i32
        %dma_start3A_167 = arith.constant 0 : i32
        %dma_start3A_168 = tpu.memref_slice %arg16[%dma_start3A_166, %dma_start3A_167] : memref<3072x128xf32, #tpu.memory_space<vmem_shared>> -> memref<3072x128xf32, #tpu.memory_space<vmem_shared>>
        tpu.enqueue_indirect_dma source(%dma_start3A_162 : memref<128x128xf32, #tpu.memory_space<vmem>>) target(%dma_start3A_168 : memref<3072x128xf32, #tpu.memory_space<vmem_shared>>) offsets(%dma_start3A_165 : memref<128xi32, #tpu.memory_space<vmem>>) semaphore(%run_scoped3A_158 : memref<!tpu.dma_semaphore, #tpu.memory_space<semaphore_mem>>) {add = true}
        %dma_wait3A_169 = arith.constant 0 : i32
        %dma_wait3A_170 = arith.constant 0 : i32
        %dma_wait3A_171 = tpu.memref_slice %arg15[%run_scoped3A, %dma_wait3A_169, %dma_wait3A_170] : memref<2x128x128xf32, #tpu.memory_space<vmem>> -> memref<1x128x128xf32, #tpu.memory_space<vmem>>
        %dma_wait3A_172 = tpu.memref_squeeze %dma_wait3A_171 : memref<1x128x128xf32, #tpu.memory_space<vmem>> -> memref<128x128xf32, #tpu.memory_space<vmem>>
        %dma_wait3A_173 = arith.constant 0 : i32
        %dma_wait3A_174 = tpu.memref_slice %arg14[%mul3A_116, %dma_wait3A_173] : memref<24x128xi32, #tpu.memory_space<vmem>> -> memref<1x128xi32, #tpu.memory_space<vmem>>
        %dma_wait3A_175 = tpu.memref_squeeze %dma_wait3A_174 : memref<1x128xi32, #tpu.memory_space<vmem>> -> memref<128xi32, #tpu.memory_space<vmem>>
        %dma_wait3A_176 = arith.constant 0 : i32
        %dma_wait3A_177 = arith.constant 0 : i32
        %dma_wait3A_178 = tpu.memref_slice %arg16[%dma_wait3A_176, %dma_wait3A_177] : memref<3072x128xf32, #tpu.memory_space<vmem_shared>> -> memref<3072x128xf32, #tpu.memory_space<vmem_shared>>
        tpu.wait_indirect_dma semaphore(%run_scoped3A_158 : memref<!tpu.dma_semaphore, #tpu.memory_space<semaphore_mem>>) src(%dma_wait3A_172 : memref<128x128xf32, #tpu.memory_space<vmem>>) dst(%dma_wait3A_178 : memref<3072x128xf32, #tpu.memory_space<vmem_shared>>)
        tpu.yield
      }) : () -> ()
      %lt3A = arith.constant 11 : i32
      %lt3A_140 = arith.cmpi slt, %scan3A_114, %lt3A : i32
      %convert_element_type3A = arith.extui %lt3A_140 : i1 to i32
      %cond3A = arith.constant 0 : i32
      %cond3A_141 = arith.cmpi ne, %convert_element_type3A, %cond3A : i32
      scf.if %cond3A_141 {
        %add3A_158 = arith.constant 2 : i32
        %add3A_159 = arith.addi %mul3A_116, %add3A_158 : i32
        %dma_start3A_160 = arith.constant 0 : i32
        %dma_start3A_161 = arith.constant 0 : i32
        %dma_start3A_162 = arith.constant 0 : i32
        %dma_start3A_163 = tpu.memref_slice %arg15[%dma_start3A_160, %dma_start3A_161, %dma_start3A_162] : memref<2x128x128xf32, #tpu.memory_space<vmem>> -> memref<1x128x128xf32, #tpu.memory_space<vmem>>
        %dma_start3A_164 = tpu.memref_squeeze %dma_start3A_163 : memref<1x128x128xf32, #tpu.memory_space<vmem>> -> memref<128x128xf32, #tpu.memory_space<vmem>>
        %dma_start3A_165 = arith.constant 0 : i32
        %dma_start3A_166 = tpu.memref_slice %arg13[%add3A_159, %dma_start3A_165] : memref<24x128xi32, #tpu.memory_space<vmem>> -> memref<1x128xi32, #tpu.memory_space<vmem>>
        %dma_start3A_167 = tpu.memref_squeeze %dma_start3A_166 : memref<1x128xi32, #tpu.memory_space<vmem>> -> memref<128xi32, #tpu.memory_space<vmem>>
        %dma_start3A_168 = arith.constant 0 : i32
        %dma_start3A_169 = arith.constant 0 : i32
        %dma_start3A_170 = tpu.memref_slice %arg4[%dma_start3A_168, %dma_start3A_169] : memref<3000x128xf32, #tpu.memory_space<hbm>> -> memref<3000x128xf32, #tpu.memory_space<hbm>>
        tpu.enqueue_indirect_dma source(%dma_start3A_170 : memref<3000x128xf32, #tpu.memory_space<hbm>>) target(%dma_start3A_164 : memref<128x128xf32, #tpu.memory_space<vmem>>) offsets(%dma_start3A_167 : memref<128xi32, #tpu.memory_space<vmem>>) semaphore(%arg17 : memref<!tpu.dma_semaphore, #tpu.memory_space<semaphore_mem>>)
      } else {
      }
      %add3A_142 = arith.constant 1 : i32
      %add3A_143 = arith.addi %mul3A_116, %add3A_142 : i32
      %dma_wait3A_144 = arith.constant 1 : i32
      %dma_wait3A_145 = arith.constant 0 : i32
      %dma_wait3A_146 = arith.constant 0 : i32
      %dma_wait3A_147 = tpu.memref_slice %arg15[%dma_wait3A_144, %dma_wait3A_145, %dma_wait3A_146] : memref<2x128x128xf32, #tpu.memory_space<vmem>> -> memref<1x128x128xf32, #tpu.memory_space<vmem>>
      %dma_wait3A_148 = tpu.memref_squeeze %dma_wait3A_147 : memref<1x128x128xf32, #tpu.memory_space<vmem>> -> memref<128x128xf32, #tpu.memory_space<vmem>>
      %dma_wait3A_149 = arith.constant 0 : i32
      %dma_wait3A_150 = tpu.memref_slice %arg13[%add3A_143, %dma_wait3A_149] : memref<24x128xi32, #tpu.memory_space<vmem>> -> memref<1x128xi32, #tpu.memory_space<vmem>>
      %dma_wait3A_151 = tpu.memref_squeeze %dma_wait3A_150 : memref<1x128xi32, #tpu.memory_space<vmem>> -> memref<128xi32, #tpu.memory_space<vmem>>
      %dma_wait3A_152 = arith.constant 0 : i32
      %dma_wait3A_153 = arith.constant 0 : i32
      %dma_wait3A_154 = tpu.memref_slice %arg4[%dma_wait3A_152, %dma_wait3A_153] : memref<3000x128xf32, #tpu.memory_space<hbm>> -> memref<3000x128xf32, #tpu.memory_space<hbm>>
      tpu.wait_indirect_dma semaphore(%arg18 : memref<!tpu.dma_semaphore, #tpu.memory_space<semaphore_mem>>) src(%dma_wait3A_154 : memref<3000x128xf32, #tpu.memory_space<hbm>>) dst(%dma_wait3A_148 : memref<128x128xf32, #tpu.memory_space<vmem>>)
      %add3A_155 = arith.constant 1 : i32
      %add3A_156 = arith.addi %mul3A_116, %add3A_155 : i32
      %run_scoped3A_157 = arith.constant 1 : i32
      "tpu.region"() ({
        %run_scoped3A_158 = tpu.sem_alloc : memref<!tpu.dma_semaphore, #tpu.memory_space<semaphore_mem>>
        %dma_start3A_159 = arith.constant 0 : i32
        %dma_start3A_160 = arith.constant 0 : i32
        %dma_start3A_161 = tpu.memref_slice %arg15[%run_scoped3A_157, %dma_start3A_159, %dma_start3A_160] : memref<2x128x128xf32, #tpu.memory_space<vmem>> -> memref<1x128x128xf32, #tpu.memory_space<vmem>>
        %dma_start3A_162 = tpu.memref_squeeze %dma_start3A_161 : memref<1x128x128xf32, #tpu.memory_space<vmem>> -> memref<128x128xf32, #tpu.memory_space<vmem>>
        %dma_start3A_163 = arith.constant 0 : i32
        %dma_start3A_164 = tpu.memref_slice %arg14[%add3A_156, %dma_start3A_163] : memref<24x128xi32, #tpu.memory_space<vmem>> -> memref<1x128xi32, #tpu.memory_space<vmem>>
        %dma_start3A_165 = tpu.memref_squeeze %dma_start3A_164 : memref<1x128xi32, #tpu.memory_space<vmem>> -> memref<128xi32, #tpu.memory_space<vmem>>
        %dma_start3A_166 = arith.constant 0 : i32
        %dma_start3A_167 = arith.constant 0 : i32
        %dma_start3A_168 = tpu.memref_slice %arg16[%dma_start3A_166, %dma_start3A_167] : memref<3072x128xf32, #tpu.memory_space<vmem_shared>> -> memref<3072x128xf32, #tpu.memory_space<vmem_shared>>
        tpu.enqueue_indirect_dma source(%dma_start3A_162 : memref<128x128xf32, #tpu.memory_space<vmem>>) target(%dma_start3A_168 : memref<3072x128xf32, #tpu.memory_space<vmem_shared>>) offsets(%dma_start3A_165 : memref<128xi32, #tpu.memory_space<vmem>>) semaphore(%run_scoped3A_158 : memref<!tpu.dma_semaphore, #tpu.memory_space<semaphore_mem>>) {add = true}
        %dma_wait3A_169 = arith.constant 0 : i32
        %dma_wait3A_170 = arith.constant 0 : i32
        %dma_wait3A_171 = tpu.memref_slice %arg15[%run_scoped3A_157, %dma_wait3A_169, %dma_wait3A_170] : memref<2x128x128xf32, #tpu.memory_space<vmem>> -> memref<1x128x128xf32, #tpu.memory_space<vmem>>
        %dma_wait3A_172 = tpu.memref_squeeze %dma_wait3A_171 : memref<1x128x128xf32, #tpu.memory_space<vmem>> -> memref<128x128xf32, #tpu.memory_space<vmem>>
        %dma_wait3A_173 = arith.constant 0 : i32
        %dma_wait3A_174 = tpu.memref_slice %arg14[%add3A_156, %dma_wait3A_173] : memref<24x128xi32, #tpu.memory_space<vmem>> -> memref<1x128xi32, #tpu.memory_space<vmem>>
        %dma_wait3A_175 = tpu.memref_squeeze %dma_wait3A_174 : memref<1x128xi32, #tpu.memory_space<vmem>> -> memref<128xi32, #tpu.memory_space<vmem>>
        %dma_wait3A_176 = arith.constant 0 : i32
        %dma_wait3A_177 = arith.constant 0 : i32
        %dma_wait3A_178 = tpu.memref_slice %arg16[%dma_wait3A_176, %dma_wait3A_177] : memref<3072x128xf32, #tpu.memory_space<vmem_shared>> -> memref<3072x128xf32, #tpu.memory_space<vmem_shared>>
        tpu.wait_indirect_dma semaphore(%run_scoped3A_158 : memref<!tpu.dma_semaphore, #tpu.memory_space<semaphore_mem>>) src(%dma_wait3A_172 : memref<128x128xf32, #tpu.memory_space<vmem>>) dst(%dma_wait3A_178 : memref<3072x128xf32, #tpu.memory_space<vmem_shared>>)
        tpu.yield
      }) : () -> ()
    }
    %scan3A_24 = arith.constant 12 : i32
    %barrier3A_25 = arith.constant 0 : index
    tpu.barrier barrier_id(%barrier3A_25)
    %mul3A_26 = arith.constant 192 : i32
    %mul3A_27 = arith.muli %arg1, %mul3A_26 : i32
    %mul3A_28 = arith.constant 192 : i32
    %mul3A_29 = arith.muli %arg1, %mul3A_28 : i32
    "tpu.region"() ({
      %run_scoped3A = tpu.sem_alloc : memref<!tpu.dma_semaphore, #tpu.memory_space<semaphore_mem>>
      %dma_start3A_114 = arith.constant 0 : i32
      %dma_start3A_115 = tpu.memref_slice %arg9[%arg0, %mul3A_29, %dma_start3A_114] : memref<2x3072x128xf32, #tpu.memory_space<hbm>> -> memref<1x192x128xf32, #tpu.memory_space<hbm>>
      %dma_start3A_116 = tpu.memref_squeeze %dma_start3A_115 : memref<1x192x128xf32, #tpu.memory_space<hbm>> -> memref<192x128xf32, #tpu.memory_space<hbm>>
      %dma_start3A_117 = arith.constant 0 : i32
      %dma_start3A_118 = tpu.memref_slice %arg16[%mul3A_27, %dma_start3A_117] : memref<3072x128xf32, #tpu.memory_space<vmem_shared>> -> memref<192x128xf32, #tpu.memory_space<vmem_shared>>
      tpu.enqueue_dma source(%dma_start3A_118 : memref<192x128xf32, #tpu.memory_space<vmem_shared>>) target(%dma_start3A_116 : memref<192x128xf32, #tpu.memory_space<hbm>>) target_semaphore(%run_scoped3A : memref<!tpu.dma_semaphore, #tpu.memory_space<semaphore_mem>>)
      %dma_wait3A = arith.constant 0 : i32
      %dma_wait3A_119 = tpu.memref_slice %arg9[%arg0, %mul3A_29, %dma_wait3A] : memref<2x3072x128xf32, #tpu.memory_space<hbm>> -> memref<1x192x128xf32, #tpu.memory_space<hbm>>
      %dma_wait3A_120 = tpu.memref_squeeze %dma_wait3A_119 : memref<1x192x128xf32, #tpu.memory_space<hbm>> -> memref<192x128xf32, #tpu.memory_space<hbm>>
      %dma_wait3A_121 = arith.constant 0 : i32
      %dma_wait3A_122 = tpu.memref_slice %arg16[%mul3A_27, %dma_wait3A_121] : memref<3072x128xf32, #tpu.memory_space<vmem_shared>> -> memref<192x128xf32, #tpu.memory_space<vmem_shared>>
      tpu.wait_dma2 semaphore(%run_scoped3A : memref<!tpu.dma_semaphore, #tpu.memory_space<semaphore_mem>>) src(%dma_wait3A_122 : memref<192x128xf32, #tpu.memory_space<vmem_shared>>) dst(%dma_wait3A_120 : memref<192x128xf32, #tpu.memory_space<hbm>>)
      tpu.yield
    }) : () -> ()
    %mul3A_30 = arith.constant 192 : i32
    %mul3A_31 = arith.muli %arg1, %mul3A_30 : i32
    %mul3A_32 = arith.constant 192 : i32
    %mul3A_33 = arith.muli %arg1, %mul3A_32 : i32
    "tpu.region"() ({
      %run_scoped3A = tpu.sem_alloc : memref<!tpu.dma_semaphore, #tpu.memory_space<semaphore_mem>>
      %dma_start3A_114 = arith.constant 0 : i32
      %dma_start3A_115 = tpu.memref_slice %arg16[%mul3A_33, %dma_start3A_114] : memref<3072x128xf32, #tpu.memory_space<vmem_shared>> -> memref<192x128xf32, #tpu.memory_space<vmem_shared>>
      %dma_start3A_116 = arith.constant 0 : i32
      %dma_start3A_117 = tpu.memref_slice %arg8[%mul3A_31, %dma_start3A_116] : memref<3072x128xf32, #tpu.memory_space<hbm>> -> memref<192x128xf32, #tpu.memory_space<hbm>>
      tpu.enqueue_dma source(%dma_start3A_117 : memref<192x128xf32, #tpu.memory_space<hbm>>) target(%dma_start3A_115 : memref<192x128xf32, #tpu.memory_space<vmem_shared>>) target_semaphore(%run_scoped3A : memref<!tpu.dma_semaphore, #tpu.memory_space<semaphore_mem>>)
      %dma_wait3A = arith.constant 0 : i32
      %dma_wait3A_118 = tpu.memref_slice %arg16[%mul3A_33, %dma_wait3A] : memref<3072x128xf32, #tpu.memory_space<vmem_shared>> -> memref<192x128xf32, #tpu.memory_space<vmem_shared>>
      %dma_wait3A_119 = arith.constant 0 : i32
      %dma_wait3A_120 = tpu.memref_slice %arg8[%mul3A_31, %dma_wait3A_119] : memref<3072x128xf32, #tpu.memory_space<hbm>> -> memref<192x128xf32, #tpu.memory_space<hbm>>
      tpu.wait_dma2 semaphore(%run_scoped3A : memref<!tpu.dma_semaphore, #tpu.memory_space<semaphore_mem>>) src(%dma_wait3A_120 : memref<192x128xf32, #tpu.memory_space<hbm>>) dst(%dma_wait3A_118 : memref<192x128xf32, #tpu.memory_space<vmem_shared>>)
      tpu.yield
    }) : () -> ()
    %barrier3A_34 = arith.constant 0 : index
    tpu.barrier barrier_id(%barrier3A_34)
    %dma_start3A_35 = arith.constant 0 : i32
    %dma_start3A_36 = arith.constant 0 : i32
    %dma_start3A_37 = arith.constant 0 : i32
    %dma_start3A_38 = arith.constant 0 : i32
    %dma_start3A_39 = tpu.memref_slice %arg15[%dma_start3A_36, %dma_start3A_37, %dma_start3A_38] : memref<2x128x128xf32, #tpu.memory_space<vmem>> -> memref<1x128x128xf32, #tpu.memory_space<vmem>>
    %dma_start3A_40 = tpu.memref_squeeze %dma_start3A_39 : memref<1x128x128xf32, #tpu.memory_space<vmem>> -> memref<128x128xf32, #tpu.memory_space<vmem>>
    %dma_start3A_41 = arith.constant 0 : i32
    %dma_start3A_42 = tpu.memref_slice %arg13[%dma_start3A_35, %dma_start3A_41] : memref<24x128xi32, #tpu.memory_space<vmem>> -> memref<1x128xi32, #tpu.memory_space<vmem>>
    %dma_start3A_43 = tpu.memref_squeeze %dma_start3A_42 : memref<1x128xi32, #tpu.memory_space<vmem>> -> memref<128xi32, #tpu.memory_space<vmem>>
    %dma_start3A_44 = arith.constant 0 : i32
    %dma_start3A_45 = arith.constant 0 : i32
    %dma_start3A_46 = tpu.memref_slice %arg5[%dma_start3A_44, %dma_start3A_45] : memref<3000x128xf32, #tpu.memory_space<hbm>> -> memref<3000x128xf32, #tpu.memory_space<hbm>>
    tpu.enqueue_indirect_dma source(%dma_start3A_46 : memref<3000x128xf32, #tpu.memory_space<hbm>>) target(%dma_start3A_40 : memref<128x128xf32, #tpu.memory_space<vmem>>) offsets(%dma_start3A_43 : memref<128xi32, #tpu.memory_space<vmem>>) semaphore(%arg17 : memref<!tpu.dma_semaphore, #tpu.memory_space<semaphore_mem>>)
    %scan3A_47 = arith.constant 0 : i32
    %scan3A_48 = arith.constant 0 : i32
    %scan3A_49 = arith.constant 12 : i32
    %scan3A_50 = arith.addi %scan3A_48, %scan3A_49 : i32
    %scan3A_51 = arith.constant 1 : i32
    scf.for %scan3A_114 = %scan3A_48 to %scan3A_50 step %scan3A_51  : i32 {
      %mul3A_115 = arith.constant 2 : i32
      %mul3A_116 = arith.muli %mul3A_115, %scan3A_114 : i32
      %add3A_117 = arith.constant 1 : i32
      %add3A_118 = arith.addi %mul3A_116, %add3A_117 : i32
      %dma_start3A_119 = arith.constant 1 : i32
      %dma_start3A_120 = arith.constant 0 : i32
      %dma_start3A_121 = arith.constant 0 : i32
      %dma_start3A_122 = tpu.memref_slice %arg15[%dma_start3A_119, %dma_start3A_120, %dma_start3A_121] : memref<2x128x128xf32, #tpu.memory_space<vmem>> -> memref<1x128x128xf32, #tpu.memory_space<vmem>>
      %dma_start3A_123 = tpu.memref_squeeze %dma_start3A_122 : memref<1x128x128xf32, #tpu.memory_space<vmem>> -> memref<128x128xf32, #tpu.memory_space<vmem>>
      %dma_start3A_124 = arith.constant 0 : i32
      %dma_start3A_125 = tpu.memref_slice %arg13[%add3A_118, %dma_start3A_124] : memref<24x128xi32, #tpu.memory_space<vmem>> -> memref<1x128xi32, #tpu.memory_space<vmem>>
      %dma_start3A_126 = tpu.memref_squeeze %dma_start3A_125 : memref<1x128xi32, #tpu.memory_space<vmem>> -> memref<128xi32, #tpu.memory_space<vmem>>
      %dma_start3A_127 = arith.constant 0 : i32
      %dma_start3A_128 = arith.constant 0 : i32
      %dma_start3A_129 = tpu.memref_slice %arg5[%dma_start3A_127, %dma_start3A_128] : memref<3000x128xf32, #tpu.memory_space<hbm>> -> memref<3000x128xf32, #tpu.memory_space<hbm>>
      tpu.enqueue_indirect_dma source(%dma_start3A_129 : memref<3000x128xf32, #tpu.memory_space<hbm>>) target(%dma_start3A_123 : memref<128x128xf32, #tpu.memory_space<vmem>>) offsets(%dma_start3A_126 : memref<128xi32, #tpu.memory_space<vmem>>) semaphore(%arg18 : memref<!tpu.dma_semaphore, #tpu.memory_space<semaphore_mem>>)
      %dma_wait3A = arith.constant 0 : i32
      %dma_wait3A_130 = arith.constant 0 : i32
      %dma_wait3A_131 = arith.constant 0 : i32
      %dma_wait3A_132 = tpu.memref_slice %arg15[%dma_wait3A, %dma_wait3A_130, %dma_wait3A_131] : memref<2x128x128xf32, #tpu.memory_space<vmem>> -> memref<1x128x128xf32, #tpu.memory_space<vmem>>
      %dma_wait3A_133 = tpu.memref_squeeze %dma_wait3A_132 : memref<1x128x128xf32, #tpu.memory_space<vmem>> -> memref<128x128xf32, #tpu.memory_space<vmem>>
      %dma_wait3A_134 = arith.constant 0 : i32
      %dma_wait3A_135 = tpu.memref_slice %arg13[%mul3A_116, %dma_wait3A_134] : memref<24x128xi32, #tpu.memory_space<vmem>> -> memref<1x128xi32, #tpu.memory_space<vmem>>
      %dma_wait3A_136 = tpu.memref_squeeze %dma_wait3A_135 : memref<1x128xi32, #tpu.memory_space<vmem>> -> memref<128xi32, #tpu.memory_space<vmem>>
      %dma_wait3A_137 = arith.constant 0 : i32
      %dma_wait3A_138 = arith.constant 0 : i32
      %dma_wait3A_139 = tpu.memref_slice %arg5[%dma_wait3A_137, %dma_wait3A_138] : memref<3000x128xf32, #tpu.memory_space<hbm>> -> memref<3000x128xf32, #tpu.memory_space<hbm>>
      tpu.wait_indirect_dma semaphore(%arg17 : memref<!tpu.dma_semaphore, #tpu.memory_space<semaphore_mem>>) src(%dma_wait3A_139 : memref<3000x128xf32, #tpu.memory_space<hbm>>) dst(%dma_wait3A_133 : memref<128x128xf32, #tpu.memory_space<vmem>>)
      %run_scoped3A = arith.constant 0 : i32
      "tpu.region"() ({
        %run_scoped3A_158 = tpu.sem_alloc : memref<!tpu.dma_semaphore, #tpu.memory_space<semaphore_mem>>
        %dma_start3A_159 = arith.constant 0 : i32
        %dma_start3A_160 = arith.constant 0 : i32
        %dma_start3A_161 = tpu.memref_slice %arg15[%run_scoped3A, %dma_start3A_159, %dma_start3A_160] : memref<2x128x128xf32, #tpu.memory_space<vmem>> -> memref<1x128x128xf32, #tpu.memory_space<vmem>>
        %dma_start3A_162 = tpu.memref_squeeze %dma_start3A_161 : memref<1x128x128xf32, #tpu.memory_space<vmem>> -> memref<128x128xf32, #tpu.memory_space<vmem>>
        %dma_start3A_163 = arith.constant 0 : i32
        %dma_start3A_164 = tpu.memref_slice %arg14[%mul3A_116, %dma_start3A_163] : memref<24x128xi32, #tpu.memory_space<vmem>> -> memref<1x128xi32, #tpu.memory_space<vmem>>
        %dma_start3A_165 = tpu.memref_squeeze %dma_start3A_164 : memref<1x128xi32, #tpu.memory_space<vmem>> -> memref<128xi32, #tpu.memory_space<vmem>>
        %dma_start3A_166 = arith.constant 0 : i32
        %dma_start3A_167 = arith.constant 0 : i32
        %dma_start3A_168 = tpu.memref_slice %arg16[%dma_start3A_166, %dma_start3A_167] : memref<3072x128xf32, #tpu.memory_space<vmem_shared>> -> memref<3072x128xf32, #tpu.memory_space<vmem_shared>>
        tpu.enqueue_indirect_dma source(%dma_start3A_162 : memref<128x128xf32, #tpu.memory_space<vmem>>) target(%dma_start3A_168 : memref<3072x128xf32, #tpu.memory_space<vmem_shared>>) offsets(%dma_start3A_165 : memref<128xi32, #tpu.memory_space<vmem>>) semaphore(%run_scoped3A_158 : memref<!tpu.dma_semaphore, #tpu.memory_space<semaphore_mem>>) {add = true}
        %dma_wait3A_169 = arith.constant 0 : i32
        %dma_wait3A_170 = arith.constant 0 : i32
        %dma_wait3A_171 = tpu.memref_slice %arg15[%run_scoped3A, %dma_wait3A_169, %dma_wait3A_170] : memref<2x128x128xf32, #tpu.memory_space<vmem>> -> memref<1x128x128xf32, #tpu.memory_space<vmem>>
        %dma_wait3A_172 = tpu.memref_squeeze %dma_wait3A_171 : memref<1x128x128xf32, #tpu.memory_space<vmem>> -> memref<128x128xf32, #tpu.memory_space<vmem>>
        %dma_wait3A_173 = arith.constant 0 : i32
        %dma_wait3A_174 = tpu.memref_slice %arg14[%mul3A_116, %dma_wait3A_173] : memref<24x128xi32, #tpu.memory_space<vmem>> -> memref<1x128xi32, #tpu.memory_space<vmem>>
        %dma_wait3A_175 = tpu.memref_squeeze %dma_wait3A_174 : memref<1x128xi32, #tpu.memory_space<vmem>> -> memref<128xi32, #tpu.memory_space<vmem>>
        %dma_wait3A_176 = arith.constant 0 : i32
        %dma_wait3A_177 = arith.constant 0 : i32
        %dma_wait3A_178 = tpu.memref_slice %arg16[%dma_wait3A_176, %dma_wait3A_177] : memref<3072x128xf32, #tpu.memory_space<vmem_shared>> -> memref<3072x128xf32, #tpu.memory_space<vmem_shared>>
        tpu.wait_indirect_dma semaphore(%run_scoped3A_158 : memref<!tpu.dma_semaphore, #tpu.memory_space<semaphore_mem>>) src(%dma_wait3A_172 : memref<128x128xf32, #tpu.memory_space<vmem>>) dst(%dma_wait3A_178 : memref<3072x128xf32, #tpu.memory_space<vmem_shared>>)
        tpu.yield
      }) : () -> ()
      %lt3A = arith.constant 11 : i32
      %lt3A_140 = arith.cmpi slt, %scan3A_114, %lt3A : i32
      %convert_element_type3A = arith.extui %lt3A_140 : i1 to i32
      %cond3A = arith.constant 0 : i32
      %cond3A_141 = arith.cmpi ne, %convert_element_type3A, %cond3A : i32
      scf.if %cond3A_141 {
        %add3A_158 = arith.constant 2 : i32
        %add3A_159 = arith.addi %mul3A_116, %add3A_158 : i32
        %dma_start3A_160 = arith.constant 0 : i32
        %dma_start3A_161 = arith.constant 0 : i32
        %dma_start3A_162 = arith.constant 0 : i32
        %dma_start3A_163 = tpu.memref_slice %arg15[%dma_start3A_160, %dma_start3A_161, %dma_start3A_162] : memref<2x128x128xf32, #tpu.memory_space<vmem>> -> memref<1x128x128xf32, #tpu.memory_space<vmem>>
        %dma_start3A_164 = tpu.memref_squeeze %dma_start3A_163 : memref<1x128x128xf32, #tpu.memory_space<vmem>> -> memref<128x128xf32, #tpu.memory_space<vmem>>
        %dma_start3A_165 = arith.constant 0 : i32
        %dma_start3A_166 = tpu.memref_slice %arg13[%add3A_159, %dma_start3A_165] : memref<24x128xi32, #tpu.memory_space<vmem>> -> memref<1x128xi32, #tpu.memory_space<vmem>>
        %dma_start3A_167 = tpu.memref_squeeze %dma_start3A_166 : memref<1x128xi32, #tpu.memory_space<vmem>> -> memref<128xi32, #tpu.memory_space<vmem>>
        %dma_start3A_168 = arith.constant 0 : i32
        %dma_start3A_169 = arith.constant 0 : i32
        %dma_start3A_170 = tpu.memref_slice %arg5[%dma_start3A_168, %dma_start3A_169] : memref<3000x128xf32, #tpu.memory_space<hbm>> -> memref<3000x128xf32, #tpu.memory_space<hbm>>
        tpu.enqueue_indirect_dma source(%dma_start3A_170 : memref<3000x128xf32, #tpu.memory_space<hbm>>) target(%dma_start3A_164 : memref<128x128xf32, #tpu.memory_space<vmem>>) offsets(%dma_start3A_167 : memref<128xi32, #tpu.memory_space<vmem>>) semaphore(%arg17 : memref<!tpu.dma_semaphore, #tpu.memory_space<semaphore_mem>>)
      } else {
      }
      %add3A_142 = arith.constant 1 : i32
      %add3A_143 = arith.addi %mul3A_116, %add3A_142 : i32
      %dma_wait3A_144 = arith.constant 1 : i32
      %dma_wait3A_145 = arith.constant 0 : i32
      %dma_wait3A_146 = arith.constant 0 : i32
      %dma_wait3A_147 = tpu.memref_slice %arg15[%dma_wait3A_144, %dma_wait3A_145, %dma_wait3A_146] : memref<2x128x128xf32, #tpu.memory_space<vmem>> -> memref<1x128x128xf32, #tpu.memory_space<vmem>>
      %dma_wait3A_148 = tpu.memref_squeeze %dma_wait3A_147 : memref<1x128x128xf32, #tpu.memory_space<vmem>> -> memref<128x128xf32, #tpu.memory_space<vmem>>
      %dma_wait3A_149 = arith.constant 0 : i32
      %dma_wait3A_150 = tpu.memref_slice %arg13[%add3A_143, %dma_wait3A_149] : memref<24x128xi32, #tpu.memory_space<vmem>> -> memref<1x128xi32, #tpu.memory_space<vmem>>
      %dma_wait3A_151 = tpu.memref_squeeze %dma_wait3A_150 : memref<1x128xi32, #tpu.memory_space<vmem>> -> memref<128xi32, #tpu.memory_space<vmem>>
      %dma_wait3A_152 = arith.constant 0 : i32
      %dma_wait3A_153 = arith.constant 0 : i32
      %dma_wait3A_154 = tpu.memref_slice %arg5[%dma_wait3A_152, %dma_wait3A_153] : memref<3000x128xf32, #tpu.memory_space<hbm>> -> memref<3000x128xf32, #tpu.memory_space<hbm>>
      tpu.wait_indirect_dma semaphore(%arg18 : memref<!tpu.dma_semaphore, #tpu.memory_space<semaphore_mem>>) src(%dma_wait3A_154 : memref<3000x128xf32, #tpu.memory_space<hbm>>) dst(%dma_wait3A_148 : memref<128x128xf32, #tpu.memory_space<vmem>>)
      %add3A_155 = arith.constant 1 : i32
      %add3A_156 = arith.addi %mul3A_116, %add3A_155 : i32
      %run_scoped3A_157 = arith.constant 1 : i32
      "tpu.region"() ({
        %run_scoped3A_158 = tpu.sem_alloc : memref<!tpu.dma_semaphore, #tpu.memory_space<semaphore_mem>>
        %dma_start3A_159 = arith.constant 0 : i32
        %dma_start3A_160 = arith.constant 0 : i32
        %dma_start3A_161 = tpu.memref_slice %arg15[%run_scoped3A_157, %dma_start3A_159, %dma_start3A_160] : memref<2x128x128xf32, #tpu.memory_space<vmem>> -> memref<1x128x128xf32, #tpu.memory_space<vmem>>
        %dma_start3A_162 = tpu.memref_squeeze %dma_start3A_161 : memref<1x128x128xf32, #tpu.memory_space<vmem>> -> memref<128x128xf32, #tpu.memory_space<vmem>>
        %dma_start3A_163 = arith.constant 0 : i32
        %dma_start3A_164 = tpu.memref_slice %arg14[%add3A_156, %dma_start3A_163] : memref<24x128xi32, #tpu.memory_space<vmem>> -> memref<1x128xi32, #tpu.memory_space<vmem>>
        %dma_start3A_165 = tpu.memref_squeeze %dma_start3A_164 : memref<1x128xi32, #tpu.memory_space<vmem>> -> memref<128xi32, #tpu.memory_space<vmem>>
        %dma_start3A_166 = arith.constant 0 : i32
        %dma_start3A_167 = arith.constant 0 : i32
        %dma_start3A_168 = tpu.memref_slice %arg16[%dma_start3A_166, %dma_start3A_167] : memref<3072x128xf32, #tpu.memory_space<vmem_shared>> -> memref<3072x128xf32, #tpu.memory_space<vmem_shared>>
        tpu.enqueue_indirect_dma source(%dma_start3A_162 : memref<128x128xf32, #tpu.memory_space<vmem>>) target(%dma_start3A_168 : memref<3072x128xf32, #tpu.memory_space<vmem_shared>>) offsets(%dma_start3A_165 : memref<128xi32, #tpu.memory_space<vmem>>) semaphore(%run_scoped3A_158 : memref<!tpu.dma_semaphore, #tpu.memory_space<semaphore_mem>>) {add = true}
        %dma_wait3A_169 = arith.constant 0 : i32
        %dma_wait3A_170 = arith.constant 0 : i32
        %dma_wait3A_171 = tpu.memref_slice %arg15[%run_scoped3A_157, %dma_wait3A_169, %dma_wait3A_170] : memref<2x128x128xf32, #tpu.memory_space<vmem>> -> memref<1x128x128xf32, #tpu.memory_space<vmem>>
        %dma_wait3A_172 = tpu.memref_squeeze %dma_wait3A_171 : memref<1x128x128xf32, #tpu.memory_space<vmem>> -> memref<128x128xf32, #tpu.memory_space<vmem>>
        %dma_wait3A_173 = arith.constant 0 : i32
        %dma_wait3A_174 = tpu.memref_slice %arg14[%add3A_156, %dma_wait3A_173] : memref<24x128xi32, #tpu.memory_space<vmem>> -> memref<1x128xi32, #tpu.memory_space<vmem>>
        %dma_wait3A_175 = tpu.memref_squeeze %dma_wait3A_174 : memref<1x128xi32, #tpu.memory_space<vmem>> -> memref<128xi32, #tpu.memory_space<vmem>>
        %dma_wait3A_176 = arith.constant 0 : i32
        %dma_wait3A_177 = arith.constant 0 : i32
        %dma_wait3A_178 = tpu.memref_slice %arg16[%dma_wait3A_176, %dma_wait3A_177] : memref<3072x128xf32, #tpu.memory_space<vmem_shared>> -> memref<3072x128xf32, #tpu.memory_space<vmem_shared>>
        tpu.wait_indirect_dma semaphore(%run_scoped3A_158 : memref<!tpu.dma_semaphore, #tpu.memory_space<semaphore_mem>>) src(%dma_wait3A_172 : memref<128x128xf32, #tpu.memory_space<vmem>>) dst(%dma_wait3A_178 : memref<3072x128xf32, #tpu.memory_space<vmem_shared>>)
        tpu.yield
      }) : () -> ()
    }
    %scan3A_52 = arith.constant 12 : i32
    %barrier3A_53 = arith.constant 0 : index
    tpu.barrier barrier_id(%barrier3A_53)
    %mul3A_54 = arith.constant 192 : i32
    %mul3A_55 = arith.muli %arg1, %mul3A_54 : i32
    %mul3A_56 = arith.constant 192 : i32
    %mul3A_57 = arith.muli %arg1, %mul3A_56 : i32
    "tpu.region"() ({
      %run_scoped3A = tpu.sem_alloc : memref<!tpu.dma_semaphore, #tpu.memory_space<semaphore_mem>>
      %dma_start3A_114 = arith.constant 0 : i32
      %dma_start3A_115 = tpu.memref_slice %arg10[%arg0, %mul3A_57, %dma_start3A_114] : memref<2x3072x128xf32, #tpu.memory_space<hbm>> -> memref<1x192x128xf32, #tpu.memory_space<hbm>>
      %dma_start3A_116 = tpu.memref_squeeze %dma_start3A_115 : memref<1x192x128xf32, #tpu.memory_space<hbm>> -> memref<192x128xf32, #tpu.memory_space<hbm>>
      %dma_start3A_117 = arith.constant 0 : i32
      %dma_start3A_118 = tpu.memref_slice %arg16[%mul3A_55, %dma_start3A_117] : memref<3072x128xf32, #tpu.memory_space<vmem_shared>> -> memref<192x128xf32, #tpu.memory_space<vmem_shared>>
      tpu.enqueue_dma source(%dma_start3A_118 : memref<192x128xf32, #tpu.memory_space<vmem_shared>>) target(%dma_start3A_116 : memref<192x128xf32, #tpu.memory_space<hbm>>) target_semaphore(%run_scoped3A : memref<!tpu.dma_semaphore, #tpu.memory_space<semaphore_mem>>)
      %dma_wait3A = arith.constant 0 : i32
      %dma_wait3A_119 = tpu.memref_slice %arg10[%arg0, %mul3A_57, %dma_wait3A] : memref<2x3072x128xf32, #tpu.memory_space<hbm>> -> memref<1x192x128xf32, #tpu.memory_space<hbm>>
      %dma_wait3A_120 = tpu.memref_squeeze %dma_wait3A_119 : memref<1x192x128xf32, #tpu.memory_space<hbm>> -> memref<192x128xf32, #tpu.memory_space<hbm>>
      %dma_wait3A_121 = arith.constant 0 : i32
      %dma_wait3A_122 = tpu.memref_slice %arg16[%mul3A_55, %dma_wait3A_121] : memref<3072x128xf32, #tpu.memory_space<vmem_shared>> -> memref<192x128xf32, #tpu.memory_space<vmem_shared>>
      tpu.wait_dma2 semaphore(%run_scoped3A : memref<!tpu.dma_semaphore, #tpu.memory_space<semaphore_mem>>) src(%dma_wait3A_122 : memref<192x128xf32, #tpu.memory_space<vmem_shared>>) dst(%dma_wait3A_120 : memref<192x128xf32, #tpu.memory_space<hbm>>)
      tpu.yield
    }) : () -> ()
    %mul3A_58 = arith.constant 192 : i32
    %mul3A_59 = arith.muli %arg1, %mul3A_58 : i32
    %mul3A_60 = arith.constant 192 : i32
    %mul3A_61 = arith.muli %arg1, %mul3A_60 : i32
    "tpu.region"() ({
      %run_scoped3A = tpu.sem_alloc : memref<!tpu.dma_semaphore, #tpu.memory_space<semaphore_mem>>
      %dma_start3A_114 = arith.constant 0 : i32
      %dma_start3A_115 = tpu.memref_slice %arg16[%mul3A_61, %dma_start3A_114] : memref<3072x128xf32, #tpu.memory_space<vmem_shared>> -> memref<192x128xf32, #tpu.memory_space<vmem_shared>>
      %dma_start3A_116 = arith.constant 0 : i32
      %dma_start3A_117 = tpu.memref_slice %arg8[%mul3A_59, %dma_start3A_116] : memref<3072x128xf32, #tpu.memory_space<hbm>> -> memref<192x128xf32, #tpu.memory_space<hbm>>
      tpu.enqueue_dma source(%dma_start3A_117 : memref<192x128xf32, #tpu.memory_space<hbm>>) target(%dma_start3A_115 : memref<192x128xf32, #tpu.memory_space<vmem_shared>>) target_semaphore(%run_scoped3A : memref<!tpu.dma_semaphore, #tpu.memory_space<semaphore_mem>>)
      %dma_wait3A = arith.constant 0 : i32
      %dma_wait3A_118 = tpu.memref_slice %arg16[%mul3A_61, %dma_wait3A] : memref<3072x128xf32, #tpu.memory_space<vmem_shared>> -> memref<192x128xf32, #tpu.memory_space<vmem_shared>>
      %dma_wait3A_119 = arith.constant 0 : i32
      %dma_wait3A_120 = tpu.memref_slice %arg8[%mul3A_59, %dma_wait3A_119] : memref<3072x128xf32, #tpu.memory_space<hbm>> -> memref<192x128xf32, #tpu.memory_space<hbm>>
      tpu.wait_dma2 semaphore(%run_scoped3A : memref<!tpu.dma_semaphore, #tpu.memory_space<semaphore_mem>>) src(%dma_wait3A_120 : memref<192x128xf32, #tpu.memory_space<hbm>>) dst(%dma_wait3A_118 : memref<192x128xf32, #tpu.memory_space<vmem_shared>>)
      tpu.yield
    }) : () -> ()
    %barrier3A_62 = arith.constant 0 : index
    tpu.barrier barrier_id(%barrier3A_62)
    %dma_start3A_63 = arith.constant 0 : i32
    %dma_start3A_64 = arith.constant 0 : i32
    %dma_start3A_65 = arith.constant 0 : i32
    %dma_start3A_66 = arith.constant 0 : i32
    %dma_start3A_67 = tpu.memref_slice %arg15[%dma_start3A_64, %dma_start3A_65, %dma_start3A_66] : memref<2x128x128xf32, #tpu.memory_space<vmem>> -> memref<1x128x128xf32, #tpu.memory_space<vmem>>
    %dma_start3A_68 = tpu.memref_squeeze %dma_start3A_67 : memref<1x128x128xf32, #tpu.memory_space<vmem>> -> memref<128x128xf32, #tpu.memory_space<vmem>>
    %dma_start3A_69 = arith.constant 0 : i32
    %dma_start3A_70 = tpu.memref_slice %arg13[%dma_start3A_63, %dma_start3A_69] : memref<24x128xi32, #tpu.memory_space<vmem>> -> memref<1x128xi32, #tpu.memory_space<vmem>>
    %dma_start3A_71 = tpu.memref_squeeze %dma_start3A_70 : memref<1x128xi32, #tpu.memory_space<vmem>> -> memref<128xi32, #tpu.memory_space<vmem>>
    %dma_start3A_72 = arith.constant 0 : i32
    %dma_start3A_73 = arith.constant 0 : i32
    %dma_start3A_74 = tpu.memref_slice %arg6[%dma_start3A_72, %dma_start3A_73] : memref<3000x128xf32, #tpu.memory_space<hbm>> -> memref<3000x128xf32, #tpu.memory_space<hbm>>
    tpu.enqueue_indirect_dma source(%dma_start3A_74 : memref<3000x128xf32, #tpu.memory_space<hbm>>) target(%dma_start3A_68 : memref<128x128xf32, #tpu.memory_space<vmem>>) offsets(%dma_start3A_71 : memref<128xi32, #tpu.memory_space<vmem>>) semaphore(%arg17 : memref<!tpu.dma_semaphore, #tpu.memory_space<semaphore_mem>>)
    %scan3A_75 = arith.constant 0 : i32
    %scan3A_76 = arith.constant 0 : i32
    %scan3A_77 = arith.constant 12 : i32
    %scan3A_78 = arith.addi %scan3A_76, %scan3A_77 : i32
    %scan3A_79 = arith.constant 1 : i32
    scf.for %scan3A_114 = %scan3A_76 to %scan3A_78 step %scan3A_79  : i32 {
      %mul3A_115 = arith.constant 2 : i32
      %mul3A_116 = arith.muli %mul3A_115, %scan3A_114 : i32
      %add3A_117 = arith.constant 1 : i32
      %add3A_118 = arith.addi %mul3A_116, %add3A_117 : i32
      %dma_start3A_119 = arith.constant 1 : i32
      %dma_start3A_120 = arith.constant 0 : i32
      %dma_start3A_121 = arith.constant 0 : i32
      %dma_start3A_122 = tpu.memref_slice %arg15[%dma_start3A_119, %dma_start3A_120, %dma_start3A_121] : memref<2x128x128xf32, #tpu.memory_space<vmem>> -> memref<1x128x128xf32, #tpu.memory_space<vmem>>
      %dma_start3A_123 = tpu.memref_squeeze %dma_start3A_122 : memref<1x128x128xf32, #tpu.memory_space<vmem>> -> memref<128x128xf32, #tpu.memory_space<vmem>>
      %dma_start3A_124 = arith.constant 0 : i32
      %dma_start3A_125 = tpu.memref_slice %arg13[%add3A_118, %dma_start3A_124] : memref<24x128xi32, #tpu.memory_space<vmem>> -> memref<1x128xi32, #tpu.memory_space<vmem>>
      %dma_start3A_126 = tpu.memref_squeeze %dma_start3A_125 : memref<1x128xi32, #tpu.memory_space<vmem>> -> memref<128xi32, #tpu.memory_space<vmem>>
      %dma_start3A_127 = arith.constant 0 : i32
      %dma_start3A_128 = arith.constant 0 : i32
      %dma_start3A_129 = tpu.memref_slice %arg6[%dma_start3A_127, %dma_start3A_128] : memref<3000x128xf32, #tpu.memory_space<hbm>> -> memref<3000x128xf32, #tpu.memory_space<hbm>>
      tpu.enqueue_indirect_dma source(%dma_start3A_129 : memref<3000x128xf32, #tpu.memory_space<hbm>>) target(%dma_start3A_123 : memref<128x128xf32, #tpu.memory_space<vmem>>) offsets(%dma_start3A_126 : memref<128xi32, #tpu.memory_space<vmem>>) semaphore(%arg18 : memref<!tpu.dma_semaphore, #tpu.memory_space<semaphore_mem>>)
      %dma_wait3A = arith.constant 0 : i32
      %dma_wait3A_130 = arith.constant 0 : i32
      %dma_wait3A_131 = arith.constant 0 : i32
      %dma_wait3A_132 = tpu.memref_slice %arg15[%dma_wait3A, %dma_wait3A_130, %dma_wait3A_131] : memref<2x128x128xf32, #tpu.memory_space<vmem>> -> memref<1x128x128xf32, #tpu.memory_space<vmem>>
      %dma_wait3A_133 = tpu.memref_squeeze %dma_wait3A_132 : memref<1x128x128xf32, #tpu.memory_space<vmem>> -> memref<128x128xf32, #tpu.memory_space<vmem>>
      %dma_wait3A_134 = arith.constant 0 : i32
      %dma_wait3A_135 = tpu.memref_slice %arg13[%mul3A_116, %dma_wait3A_134] : memref<24x128xi32, #tpu.memory_space<vmem>> -> memref<1x128xi32, #tpu.memory_space<vmem>>
      %dma_wait3A_136 = tpu.memref_squeeze %dma_wait3A_135 : memref<1x128xi32, #tpu.memory_space<vmem>> -> memref<128xi32, #tpu.memory_space<vmem>>
      %dma_wait3A_137 = arith.constant 0 : i32
      %dma_wait3A_138 = arith.constant 0 : i32
      %dma_wait3A_139 = tpu.memref_slice %arg6[%dma_wait3A_137, %dma_wait3A_138] : memref<3000x128xf32, #tpu.memory_space<hbm>> -> memref<3000x128xf32, #tpu.memory_space<hbm>>
      tpu.wait_indirect_dma semaphore(%arg17 : memref<!tpu.dma_semaphore, #tpu.memory_space<semaphore_mem>>) src(%dma_wait3A_139 : memref<3000x128xf32, #tpu.memory_space<hbm>>) dst(%dma_wait3A_133 : memref<128x128xf32, #tpu.memory_space<vmem>>)
      %run_scoped3A = arith.constant 0 : i32
      "tpu.region"() ({
        %run_scoped3A_158 = tpu.sem_alloc : memref<!tpu.dma_semaphore, #tpu.memory_space<semaphore_mem>>
        %dma_start3A_159 = arith.constant 0 : i32
        %dma_start3A_160 = arith.constant 0 : i32
        %dma_start3A_161 = tpu.memref_slice %arg15[%run_scoped3A, %dma_start3A_159, %dma_start3A_160] : memref<2x128x128xf32, #tpu.memory_space<vmem>> -> memref<1x128x128xf32, #tpu.memory_space<vmem>>
        %dma_start3A_162 = tpu.memref_squeeze %dma_start3A_161 : memref<1x128x128xf32, #tpu.memory_space<vmem>> -> memref<128x128xf32, #tpu.memory_space<vmem>>
        %dma_start3A_163 = arith.constant 0 : i32
        %dma_start3A_164 = tpu.memref_slice %arg14[%mul3A_116, %dma_start3A_163] : memref<24x128xi32, #tpu.memory_space<vmem>> -> memref<1x128xi32, #tpu.memory_space<vmem>>
        %dma_start3A_165 = tpu.memref_squeeze %dma_start3A_164 : memref<1x128xi32, #tpu.memory_space<vmem>> -> memref<128xi32, #tpu.memory_space<vmem>>
        %dma_start3A_166 = arith.constant 0 : i32
        %dma_start3A_167 = arith.constant 0 : i32
        %dma_start3A_168 = tpu.memref_slice %arg16[%dma_start3A_166, %dma_start3A_167] : memref<3072x128xf32, #tpu.memory_space<vmem_shared>> -> memref<3072x128xf32, #tpu.memory_space<vmem_shared>>
        tpu.enqueue_indirect_dma source(%dma_start3A_162 : memref<128x128xf32, #tpu.memory_space<vmem>>) target(%dma_start3A_168 : memref<3072x128xf32, #tpu.memory_space<vmem_shared>>) offsets(%dma_start3A_165 : memref<128xi32, #tpu.memory_space<vmem>>) semaphore(%run_scoped3A_158 : memref<!tpu.dma_semaphore, #tpu.memory_space<semaphore_mem>>) {add = true}
        %dma_wait3A_169 = arith.constant 0 : i32
        %dma_wait3A_170 = arith.constant 0 : i32
        %dma_wait3A_171 = tpu.memref_slice %arg15[%run_scoped3A, %dma_wait3A_169, %dma_wait3A_170] : memref<2x128x128xf32, #tpu.memory_space<vmem>> -> memref<1x128x128xf32, #tpu.memory_space<vmem>>
        %dma_wait3A_172 = tpu.memref_squeeze %dma_wait3A_171 : memref<1x128x128xf32, #tpu.memory_space<vmem>> -> memref<128x128xf32, #tpu.memory_space<vmem>>
        %dma_wait3A_173 = arith.constant 0 : i32
        %dma_wait3A_174 = tpu.memref_slice %arg14[%mul3A_116, %dma_wait3A_173] : memref<24x128xi32, #tpu.memory_space<vmem>> -> memref<1x128xi32, #tpu.memory_space<vmem>>
        %dma_wait3A_175 = tpu.memref_squeeze %dma_wait3A_174 : memref<1x128xi32, #tpu.memory_space<vmem>> -> memref<128xi32, #tpu.memory_space<vmem>>
        %dma_wait3A_176 = arith.constant 0 : i32
        %dma_wait3A_177 = arith.constant 0 : i32
        %dma_wait3A_178 = tpu.memref_slice %arg16[%dma_wait3A_176, %dma_wait3A_177] : memref<3072x128xf32, #tpu.memory_space<vmem_shared>> -> memref<3072x128xf32, #tpu.memory_space<vmem_shared>>
        tpu.wait_indirect_dma semaphore(%run_scoped3A_158 : memref<!tpu.dma_semaphore, #tpu.memory_space<semaphore_mem>>) src(%dma_wait3A_172 : memref<128x128xf32, #tpu.memory_space<vmem>>) dst(%dma_wait3A_178 : memref<3072x128xf32, #tpu.memory_space<vmem_shared>>)
        tpu.yield
      }) : () -> ()
      %lt3A = arith.constant 11 : i32
      %lt3A_140 = arith.cmpi slt, %scan3A_114, %lt3A : i32
      %convert_element_type3A = arith.extui %lt3A_140 : i1 to i32
      %cond3A = arith.constant 0 : i32
      %cond3A_141 = arith.cmpi ne, %convert_element_type3A, %cond3A : i32
      scf.if %cond3A_141 {
        %add3A_158 = arith.constant 2 : i32
        %add3A_159 = arith.addi %mul3A_116, %add3A_158 : i32
        %dma_start3A_160 = arith.constant 0 : i32
        %dma_start3A_161 = arith.constant 0 : i32
        %dma_start3A_162 = arith.constant 0 : i32
        %dma_start3A_163 = tpu.memref_slice %arg15[%dma_start3A_160, %dma_start3A_161, %dma_start3A_162] : memref<2x128x128xf32, #tpu.memory_space<vmem>> -> memref<1x128x128xf32, #tpu.memory_space<vmem>>
        %dma_start3A_164 = tpu.memref_squeeze %dma_start3A_163 : memref<1x128x128xf32, #tpu.memory_space<vmem>> -> memref<128x128xf32, #tpu.memory_space<vmem>>
        %dma_start3A_165 = arith.constant 0 : i32
        %dma_start3A_166 = tpu.memref_slice %arg13[%add3A_159, %dma_start3A_165] : memref<24x128xi32, #tpu.memory_space<vmem>> -> memref<1x128xi32, #tpu.memory_space<vmem>>
        %dma_start3A_167 = tpu.memref_squeeze %dma_start3A_166 : memref<1x128xi32, #tpu.memory_space<vmem>> -> memref<128xi32, #tpu.memory_space<vmem>>
        %dma_start3A_168 = arith.constant 0 : i32
        %dma_start3A_169 = arith.constant 0 : i32
        %dma_start3A_170 = tpu.memref_slice %arg6[%dma_start3A_168, %dma_start3A_169] : memref<3000x128xf32, #tpu.memory_space<hbm>> -> memref<3000x128xf32, #tpu.memory_space<hbm>>
        tpu.enqueue_indirect_dma source(%dma_start3A_170 : memref<3000x128xf32, #tpu.memory_space<hbm>>) target(%dma_start3A_164 : memref<128x128xf32, #tpu.memory_space<vmem>>) offsets(%dma_start3A_167 : memref<128xi32, #tpu.memory_space<vmem>>) semaphore(%arg17 : memref<!tpu.dma_semaphore, #tpu.memory_space<semaphore_mem>>)
      } else {
      }
      %add3A_142 = arith.constant 1 : i32
      %add3A_143 = arith.addi %mul3A_116, %add3A_142 : i32
      %dma_wait3A_144 = arith.constant 1 : i32
      %dma_wait3A_145 = arith.constant 0 : i32
      %dma_wait3A_146 = arith.constant 0 : i32
      %dma_wait3A_147 = tpu.memref_slice %arg15[%dma_wait3A_144, %dma_wait3A_145, %dma_wait3A_146] : memref<2x128x128xf32, #tpu.memory_space<vmem>> -> memref<1x128x128xf32, #tpu.memory_space<vmem>>
      %dma_wait3A_148 = tpu.memref_squeeze %dma_wait3A_147 : memref<1x128x128xf32, #tpu.memory_space<vmem>> -> memref<128x128xf32, #tpu.memory_space<vmem>>
      %dma_wait3A_149 = arith.constant 0 : i32
      %dma_wait3A_150 = tpu.memref_slice %arg13[%add3A_143, %dma_wait3A_149] : memref<24x128xi32, #tpu.memory_space<vmem>> -> memref<1x128xi32, #tpu.memory_space<vmem>>
      %dma_wait3A_151 = tpu.memref_squeeze %dma_wait3A_150 : memref<1x128xi32, #tpu.memory_space<vmem>> -> memref<128xi32, #tpu.memory_space<vmem>>
      %dma_wait3A_152 = arith.constant 0 : i32
      %dma_wait3A_153 = arith.constant 0 : i32
      %dma_wait3A_154 = tpu.memref_slice %arg6[%dma_wait3A_152, %dma_wait3A_153] : memref<3000x128xf32, #tpu.memory_space<hbm>> -> memref<3000x128xf32, #tpu.memory_space<hbm>>
      tpu.wait_indirect_dma semaphore(%arg18 : memref<!tpu.dma_semaphore, #tpu.memory_space<semaphore_mem>>) src(%dma_wait3A_154 : memref<3000x128xf32, #tpu.memory_space<hbm>>) dst(%dma_wait3A_148 : memref<128x128xf32, #tpu.memory_space<vmem>>)
      %add3A_155 = arith.constant 1 : i32
      %add3A_156 = arith.addi %mul3A_116, %add3A_155 : i32
      %run_scoped3A_157 = arith.constant 1 : i32
      "tpu.region"() ({
        %run_scoped3A_158 = tpu.sem_alloc : memref<!tpu.dma_semaphore, #tpu.memory_space<semaphore_mem>>
        %dma_start3A_159 = arith.constant 0 : i32
        %dma_start3A_160 = arith.constant 0 : i32
        %dma_start3A_161 = tpu.memref_slice %arg15[%run_scoped3A_157, %dma_start3A_159, %dma_start3A_160] : memref<2x128x128xf32, #tpu.memory_space<vmem>> -> memref<1x128x128xf32, #tpu.memory_space<vmem>>
        %dma_start3A_162 = tpu.memref_squeeze %dma_start3A_161 : memref<1x128x128xf32, #tpu.memory_space<vmem>> -> memref<128x128xf32, #tpu.memory_space<vmem>>
        %dma_start3A_163 = arith.constant 0 : i32
        %dma_start3A_164 = tpu.memref_slice %arg14[%add3A_156, %dma_start3A_163] : memref<24x128xi32, #tpu.memory_space<vmem>> -> memref<1x128xi32, #tpu.memory_space<vmem>>
        %dma_start3A_165 = tpu.memref_squeeze %dma_start3A_164 : memref<1x128xi32, #tpu.memory_space<vmem>> -> memref<128xi32, #tpu.memory_space<vmem>>
        %dma_start3A_166 = arith.constant 0 : i32
        %dma_start3A_167 = arith.constant 0 : i32
        %dma_start3A_168 = tpu.memref_slice %arg16[%dma_start3A_166, %dma_start3A_167] : memref<3072x128xf32, #tpu.memory_space<vmem_shared>> -> memref<3072x128xf32, #tpu.memory_space<vmem_shared>>
        tpu.enqueue_indirect_dma source(%dma_start3A_162 : memref<128x128xf32, #tpu.memory_space<vmem>>) target(%dma_start3A_168 : memref<3072x128xf32, #tpu.memory_space<vmem_shared>>) offsets(%dma_start3A_165 : memref<128xi32, #tpu.memory_space<vmem>>) semaphore(%run_scoped3A_158 : memref<!tpu.dma_semaphore, #tpu.memory_space<semaphore_mem>>) {add = true}
        %dma_wait3A_169 = arith.constant 0 : i32
        %dma_wait3A_170 = arith.constant 0 : i32
        %dma_wait3A_171 = tpu.memref_slice %arg15[%run_scoped3A_157, %dma_wait3A_169, %dma_wait3A_170] : memref<2x128x128xf32, #tpu.memory_space<vmem>> -> memref<1x128x128xf32, #tpu.memory_space<vmem>>
        %dma_wait3A_172 = tpu.memref_squeeze %dma_wait3A_171 : memref<1x128x128xf32, #tpu.memory_space<vmem>> -> memref<128x128xf32, #tpu.memory_space<vmem>>
        %dma_wait3A_173 = arith.constant 0 : i32
        %dma_wait3A_174 = tpu.memref_slice %arg14[%add3A_156, %dma_wait3A_173] : memref<24x128xi32, #tpu.memory_space<vmem>> -> memref<1x128xi32, #tpu.memory_space<vmem>>
        %dma_wait3A_175 = tpu.memref_squeeze %dma_wait3A_174 : memref<1x128xi32, #tpu.memory_space<vmem>> -> memref<128xi32, #tpu.memory_space<vmem>>
        %dma_wait3A_176 = arith.constant 0 : i32
        %dma_wait3A_177 = arith.constant 0 : i32
        %dma_wait3A_178 = tpu.memref_slice %arg16[%dma_wait3A_176, %dma_wait3A_177] : memref<3072x128xf32, #tpu.memory_space<vmem_shared>> -> memref<3072x128xf32, #tpu.memory_space<vmem_shared>>
        tpu.wait_indirect_dma semaphore(%run_scoped3A_158 : memref<!tpu.dma_semaphore, #tpu.memory_space<semaphore_mem>>) src(%dma_wait3A_172 : memref<128x128xf32, #tpu.memory_space<vmem>>) dst(%dma_wait3A_178 : memref<3072x128xf32, #tpu.memory_space<vmem_shared>>)
        tpu.yield
      }) : () -> ()
    }
    %scan3A_80 = arith.constant 12 : i32
    %barrier3A_81 = arith.constant 0 : index
    tpu.barrier barrier_id(%barrier3A_81)
    %mul3A_82 = arith.constant 192 : i32
    %mul3A_83 = arith.muli %arg1, %mul3A_82 : i32
    %mul3A_84 = arith.constant 192 : i32
    %mul3A_85 = arith.muli %arg1, %mul3A_84 : i32
    "tpu.region"() ({
      %run_scoped3A = tpu.sem_alloc : memref<!tpu.dma_semaphore, #tpu.memory_space<semaphore_mem>>
      %dma_start3A_114 = arith.constant 0 : i32
      %dma_start3A_115 = tpu.memref_slice %arg11[%arg0, %mul3A_85, %dma_start3A_114] : memref<2x3072x128xf32, #tpu.memory_space<hbm>> -> memref<1x192x128xf32, #tpu.memory_space<hbm>>
      %dma_start3A_116 = tpu.memref_squeeze %dma_start3A_115 : memref<1x192x128xf32, #tpu.memory_space<hbm>> -> memref<192x128xf32, #tpu.memory_space<hbm>>
      %dma_start3A_117 = arith.constant 0 : i32
      %dma_start3A_118 = tpu.memref_slice %arg16[%mul3A_83, %dma_start3A_117] : memref<3072x128xf32, #tpu.memory_space<vmem_shared>> -> memref<192x128xf32, #tpu.memory_space<vmem_shared>>
      tpu.enqueue_dma source(%dma_start3A_118 : memref<192x128xf32, #tpu.memory_space<vmem_shared>>) target(%dma_start3A_116 : memref<192x128xf32, #tpu.memory_space<hbm>>) target_semaphore(%run_scoped3A : memref<!tpu.dma_semaphore, #tpu.memory_space<semaphore_mem>>)
      %dma_wait3A = arith.constant 0 : i32
      %dma_wait3A_119 = tpu.memref_slice %arg11[%arg0, %mul3A_85, %dma_wait3A] : memref<2x3072x128xf32, #tpu.memory_space<hbm>> -> memref<1x192x128xf32, #tpu.memory_space<hbm>>
      %dma_wait3A_120 = tpu.memref_squeeze %dma_wait3A_119 : memref<1x192x128xf32, #tpu.memory_space<hbm>> -> memref<192x128xf32, #tpu.memory_space<hbm>>
      %dma_wait3A_121 = arith.constant 0 : i32
      %dma_wait3A_122 = tpu.memref_slice %arg16[%mul3A_83, %dma_wait3A_121] : memref<3072x128xf32, #tpu.memory_space<vmem_shared>> -> memref<192x128xf32, #tpu.memory_space<vmem_shared>>
      tpu.wait_dma2 semaphore(%run_scoped3A : memref<!tpu.dma_semaphore, #tpu.memory_space<semaphore_mem>>) src(%dma_wait3A_122 : memref<192x128xf32, #tpu.memory_space<vmem_shared>>) dst(%dma_wait3A_120 : memref<192x128xf32, #tpu.memory_space<hbm>>)
      tpu.yield
    }) : () -> ()
    %mul3A_86 = arith.constant 192 : i32
    %mul3A_87 = arith.muli %arg1, %mul3A_86 : i32
    %mul3A_88 = arith.constant 192 : i32
    %mul3A_89 = arith.muli %arg1, %mul3A_88 : i32
    "tpu.region"() ({
      %run_scoped3A = tpu.sem_alloc : memref<!tpu.dma_semaphore, #tpu.memory_space<semaphore_mem>>
      %dma_start3A_114 = arith.constant 0 : i32
      %dma_start3A_115 = tpu.memref_slice %arg16[%mul3A_89, %dma_start3A_114] : memref<3072x128xf32, #tpu.memory_space<vmem_shared>> -> memref<192x128xf32, #tpu.memory_space<vmem_shared>>
      %dma_start3A_116 = arith.constant 0 : i32
      %dma_start3A_117 = tpu.memref_slice %arg8[%mul3A_87, %dma_start3A_116] : memref<3072x128xf32, #tpu.memory_space<hbm>> -> memref<192x128xf32, #tpu.memory_space<hbm>>
      tpu.enqueue_dma source(%dma_start3A_117 : memref<192x128xf32, #tpu.memory_space<hbm>>) target(%dma_start3A_115 : memref<192x128xf32, #tpu.memory_space<vmem_shared>>) target_semaphore(%run_scoped3A : memref<!tpu.dma_semaphore, #tpu.memory_space<semaphore_mem>>)
      %dma_wait3A = arith.constant 0 : i32
      %dma_wait3A_118 = tpu.memref_slice %arg16[%mul3A_89, %dma_wait3A] : memref<3072x128xf32, #tpu.memory_space<vmem_shared>> -> memref<192x128xf32, #tpu.memory_space<vmem_shared>>
      %dma_wait3A_119 = arith.constant 0 : i32
      %dma_wait3A_120 = tpu.memref_slice %arg8[%mul3A_87, %dma_wait3A_119] : memref<3072x128xf32, #tpu.memory_space<hbm>> -> memref<192x128xf32, #tpu.memory_space<hbm>>
      tpu.wait_dma2 semaphore(%run_scoped3A : memref<!tpu.dma_semaphore, #tpu.memory_space<semaphore_mem>>) src(%dma_wait3A_120 : memref<192x128xf32, #tpu.memory_space<hbm>>) dst(%dma_wait3A_118 : memref<192x128xf32, #tpu.memory_space<vmem_shared>>)
      tpu.yield
    }) : () -> ()
    %barrier3A_90 = arith.constant 0 : index
    tpu.barrier barrier_id(%barrier3A_90)
    %dma_start3A_91 = arith.constant 0 : i32
    %dma_start3A_92 = arith.constant 0 : i32
    %dma_start3A_93 = arith.constant 0 : i32
    %dma_start3A_94 = arith.constant 0 : i32
    %dma_start3A_95 = tpu.memref_slice %arg15[%dma_start3A_92, %dma_start3A_93, %dma_start3A_94] : memref<2x128x128xf32, #tpu.memory_space<vmem>> -> memref<1x128x128xf32, #tpu.memory_space<vmem>>
    %dma_start3A_96 = tpu.memref_squeeze %dma_start3A_95 : memref<1x128x128xf32, #tpu.memory_space<vmem>> -> memref<128x128xf32, #tpu.memory_space<vmem>>
    %dma_start3A_97 = arith.constant 0 : i32
    %dma_start3A_98 = tpu.memref_slice %arg13[%dma_start3A_91, %dma_start3A_97] : memref<24x128xi32, #tpu.memory_space<vmem>> -> memref<1x128xi32, #tpu.memory_space<vmem>>
    %dma_start3A_99 = tpu.memref_squeeze %dma_start3A_98 : memref<1x128xi32, #tpu.memory_space<vmem>> -> memref<128xi32, #tpu.memory_space<vmem>>
    %dma_start3A_100 = arith.constant 0 : i32
    %dma_start3A_101 = arith.constant 0 : i32
    %dma_start3A_102 = tpu.memref_slice %arg7[%dma_start3A_100, %dma_start3A_101] : memref<3000x128xf32, #tpu.memory_space<hbm>> -> memref<3000x128xf32, #tpu.memory_space<hbm>>
    tpu.enqueue_indirect_dma source(%dma_start3A_102 : memref<3000x128xf32, #tpu.memory_space<hbm>>) target(%dma_start3A_96 : memref<128x128xf32, #tpu.memory_space<vmem>>) offsets(%dma_start3A_99 : memref<128xi32, #tpu.memory_space<vmem>>) semaphore(%arg17 : memref<!tpu.dma_semaphore, #tpu.memory_space<semaphore_mem>>)
    %scan3A_103 = arith.constant 0 : i32
    %scan3A_104 = arith.constant 0 : i32
    %scan3A_105 = arith.constant 12 : i32
    %scan3A_106 = arith.addi %scan3A_104, %scan3A_105 : i32
    %scan3A_107 = arith.constant 1 : i32
    scf.for %scan3A_114 = %scan3A_104 to %scan3A_106 step %scan3A_107  : i32 {
      %mul3A_115 = arith.constant 2 : i32
      %mul3A_116 = arith.muli %mul3A_115, %scan3A_114 : i32
      %add3A_117 = arith.constant 1 : i32
      %add3A_118 = arith.addi %mul3A_116, %add3A_117 : i32
      %dma_start3A_119 = arith.constant 1 : i32
      %dma_start3A_120 = arith.constant 0 : i32
      %dma_start3A_121 = arith.constant 0 : i32
      %dma_start3A_122 = tpu.memref_slice %arg15[%dma_start3A_119, %dma_start3A_120, %dma_start3A_121] : memref<2x128x128xf32, #tpu.memory_space<vmem>> -> memref<1x128x128xf32, #tpu.memory_space<vmem>>
      %dma_start3A_123 = tpu.memref_squeeze %dma_start3A_122 : memref<1x128x128xf32, #tpu.memory_space<vmem>> -> memref<128x128xf32, #tpu.memory_space<vmem>>
      %dma_start3A_124 = arith.constant 0 : i32
      %dma_start3A_125 = tpu.memref_slice %arg13[%add3A_118, %dma_start3A_124] : memref<24x128xi32, #tpu.memory_space<vmem>> -> memref<1x128xi32, #tpu.memory_space<vmem>>
      %dma_start3A_126 = tpu.memref_squeeze %dma_start3A_125 : memref<1x128xi32, #tpu.memory_space<vmem>> -> memref<128xi32, #tpu.memory_space<vmem>>
      %dma_start3A_127 = arith.constant 0 : i32
      %dma_start3A_128 = arith.constant 0 : i32
      %dma_start3A_129 = tpu.memref_slice %arg7[%dma_start3A_127, %dma_start3A_128] : memref<3000x128xf32, #tpu.memory_space<hbm>> -> memref<3000x128xf32, #tpu.memory_space<hbm>>
      tpu.enqueue_indirect_dma source(%dma_start3A_129 : memref<3000x128xf32, #tpu.memory_space<hbm>>) target(%dma_start3A_123 : memref<128x128xf32, #tpu.memory_space<vmem>>) offsets(%dma_start3A_126 : memref<128xi32, #tpu.memory_space<vmem>>) semaphore(%arg18 : memref<!tpu.dma_semaphore, #tpu.memory_space<semaphore_mem>>)
      %dma_wait3A = arith.constant 0 : i32
      %dma_wait3A_130 = arith.constant 0 : i32
      %dma_wait3A_131 = arith.constant 0 : i32
      %dma_wait3A_132 = tpu.memref_slice %arg15[%dma_wait3A, %dma_wait3A_130, %dma_wait3A_131] : memref<2x128x128xf32, #tpu.memory_space<vmem>> -> memref<1x128x128xf32, #tpu.memory_space<vmem>>
      %dma_wait3A_133 = tpu.memref_squeeze %dma_wait3A_132 : memref<1x128x128xf32, #tpu.memory_space<vmem>> -> memref<128x128xf32, #tpu.memory_space<vmem>>
      %dma_wait3A_134 = arith.constant 0 : i32
      %dma_wait3A_135 = tpu.memref_slice %arg13[%mul3A_116, %dma_wait3A_134] : memref<24x128xi32, #tpu.memory_space<vmem>> -> memref<1x128xi32, #tpu.memory_space<vmem>>
      %dma_wait3A_136 = tpu.memref_squeeze %dma_wait3A_135 : memref<1x128xi32, #tpu.memory_space<vmem>> -> memref<128xi32, #tpu.memory_space<vmem>>
      %dma_wait3A_137 = arith.constant 0 : i32
      %dma_wait3A_138 = arith.constant 0 : i32
      %dma_wait3A_139 = tpu.memref_slice %arg7[%dma_wait3A_137, %dma_wait3A_138] : memref<3000x128xf32, #tpu.memory_space<hbm>> -> memref<3000x128xf32, #tpu.memory_space<hbm>>
      tpu.wait_indirect_dma semaphore(%arg17 : memref<!tpu.dma_semaphore, #tpu.memory_space<semaphore_mem>>) src(%dma_wait3A_139 : memref<3000x128xf32, #tpu.memory_space<hbm>>) dst(%dma_wait3A_133 : memref<128x128xf32, #tpu.memory_space<vmem>>)
      %run_scoped3A = arith.constant 0 : i32
      "tpu.region"() ({
        %run_scoped3A_158 = tpu.sem_alloc : memref<!tpu.dma_semaphore, #tpu.memory_space<semaphore_mem>>
        %dma_start3A_159 = arith.constant 0 : i32
        %dma_start3A_160 = arith.constant 0 : i32
        %dma_start3A_161 = tpu.memref_slice %arg15[%run_scoped3A, %dma_start3A_159, %dma_start3A_160] : memref<2x128x128xf32, #tpu.memory_space<vmem>> -> memref<1x128x128xf32, #tpu.memory_space<vmem>>
        %dma_start3A_162 = tpu.memref_squeeze %dma_start3A_161 : memref<1x128x128xf32, #tpu.memory_space<vmem>> -> memref<128x128xf32, #tpu.memory_space<vmem>>
        %dma_start3A_163 = arith.constant 0 : i32
        %dma_start3A_164 = tpu.memref_slice %arg14[%mul3A_116, %dma_start3A_163] : memref<24x128xi32, #tpu.memory_space<vmem>> -> memref<1x128xi32, #tpu.memory_space<vmem>>
        %dma_start3A_165 = tpu.memref_squeeze %dma_start3A_164 : memref<1x128xi32, #tpu.memory_space<vmem>> -> memref<128xi32, #tpu.memory_space<vmem>>
        %dma_start3A_166 = arith.constant 0 : i32
        %dma_start3A_167 = arith.constant 0 : i32
        %dma_start3A_168 = tpu.memref_slice %arg16[%dma_start3A_166, %dma_start3A_167] : memref<3072x128xf32, #tpu.memory_space<vmem_shared>> -> memref<3072x128xf32, #tpu.memory_space<vmem_shared>>
        tpu.enqueue_indirect_dma source(%dma_start3A_162 : memref<128x128xf32, #tpu.memory_space<vmem>>) target(%dma_start3A_168 : memref<3072x128xf32, #tpu.memory_space<vmem_shared>>) offsets(%dma_start3A_165 : memref<128xi32, #tpu.memory_space<vmem>>) semaphore(%run_scoped3A_158 : memref<!tpu.dma_semaphore, #tpu.memory_space<semaphore_mem>>) {add = true}
        %dma_wait3A_169 = arith.constant 0 : i32
        %dma_wait3A_170 = arith.constant 0 : i32
        %dma_wait3A_171 = tpu.memref_slice %arg15[%run_scoped3A, %dma_wait3A_169, %dma_wait3A_170] : memref<2x128x128xf32, #tpu.memory_space<vmem>> -> memref<1x128x128xf32, #tpu.memory_space<vmem>>
        %dma_wait3A_172 = tpu.memref_squeeze %dma_wait3A_171 : memref<1x128x128xf32, #tpu.memory_space<vmem>> -> memref<128x128xf32, #tpu.memory_space<vmem>>
        %dma_wait3A_173 = arith.constant 0 : i32
        %dma_wait3A_174 = tpu.memref_slice %arg14[%mul3A_116, %dma_wait3A_173] : memref<24x128xi32, #tpu.memory_space<vmem>> -> memref<1x128xi32, #tpu.memory_space<vmem>>
        %dma_wait3A_175 = tpu.memref_squeeze %dma_wait3A_174 : memref<1x128xi32, #tpu.memory_space<vmem>> -> memref<128xi32, #tpu.memory_space<vmem>>
        %dma_wait3A_176 = arith.constant 0 : i32
        %dma_wait3A_177 = arith.constant 0 : i32
        %dma_wait3A_178 = tpu.memref_slice %arg16[%dma_wait3A_176, %dma_wait3A_177] : memref<3072x128xf32, #tpu.memory_space<vmem_shared>> -> memref<3072x128xf32, #tpu.memory_space<vmem_shared>>
        tpu.wait_indirect_dma semaphore(%run_scoped3A_158 : memref<!tpu.dma_semaphore, #tpu.memory_space<semaphore_mem>>) src(%dma_wait3A_172 : memref<128x128xf32, #tpu.memory_space<vmem>>) dst(%dma_wait3A_178 : memref<3072x128xf32, #tpu.memory_space<vmem_shared>>)
        tpu.yield
      }) : () -> ()
      %lt3A = arith.constant 11 : i32
      %lt3A_140 = arith.cmpi slt, %scan3A_114, %lt3A : i32
      %convert_element_type3A = arith.extui %lt3A_140 : i1 to i32
      %cond3A = arith.constant 0 : i32
      %cond3A_141 = arith.cmpi ne, %convert_element_type3A, %cond3A : i32
      scf.if %cond3A_141 {
        %add3A_158 = arith.constant 2 : i32
        %add3A_159 = arith.addi %mul3A_116, %add3A_158 : i32
        %dma_start3A_160 = arith.constant 0 : i32
        %dma_start3A_161 = arith.constant 0 : i32
        %dma_start3A_162 = arith.constant 0 : i32
        %dma_start3A_163 = tpu.memref_slice %arg15[%dma_start3A_160, %dma_start3A_161, %dma_start3A_162] : memref<2x128x128xf32, #tpu.memory_space<vmem>> -> memref<1x128x128xf32, #tpu.memory_space<vmem>>
        %dma_start3A_164 = tpu.memref_squeeze %dma_start3A_163 : memref<1x128x128xf32, #tpu.memory_space<vmem>> -> memref<128x128xf32, #tpu.memory_space<vmem>>
        %dma_start3A_165 = arith.constant 0 : i32
        %dma_start3A_166 = tpu.memref_slice %arg13[%add3A_159, %dma_start3A_165] : memref<24x128xi32, #tpu.memory_space<vmem>> -> memref<1x128xi32, #tpu.memory_space<vmem>>
        %dma_start3A_167 = tpu.memref_squeeze %dma_start3A_166 : memref<1x128xi32, #tpu.memory_space<vmem>> -> memref<128xi32, #tpu.memory_space<vmem>>
        %dma_start3A_168 = arith.constant 0 : i32
        %dma_start3A_169 = arith.constant 0 : i32
        %dma_start3A_170 = tpu.memref_slice %arg7[%dma_start3A_168, %dma_start3A_169] : memref<3000x128xf32, #tpu.memory_space<hbm>> -> memref<3000x128xf32, #tpu.memory_space<hbm>>
        tpu.enqueue_indirect_dma source(%dma_start3A_170 : memref<3000x128xf32, #tpu.memory_space<hbm>>) target(%dma_start3A_164 : memref<128x128xf32, #tpu.memory_space<vmem>>) offsets(%dma_start3A_167 : memref<128xi32, #tpu.memory_space<vmem>>) semaphore(%arg17 : memref<!tpu.dma_semaphore, #tpu.memory_space<semaphore_mem>>)
      } else {
      }
      %add3A_142 = arith.constant 1 : i32
      %add3A_143 = arith.addi %mul3A_116, %add3A_142 : i32
      %dma_wait3A_144 = arith.constant 1 : i32
      %dma_wait3A_145 = arith.constant 0 : i32
      %dma_wait3A_146 = arith.constant 0 : i32
      %dma_wait3A_147 = tpu.memref_slice %arg15[%dma_wait3A_144, %dma_wait3A_145, %dma_wait3A_146] : memref<2x128x128xf32, #tpu.memory_space<vmem>> -> memref<1x128x128xf32, #tpu.memory_space<vmem>>
      %dma_wait3A_148 = tpu.memref_squeeze %dma_wait3A_147 : memref<1x128x128xf32, #tpu.memory_space<vmem>> -> memref<128x128xf32, #tpu.memory_space<vmem>>
      %dma_wait3A_149 = arith.constant 0 : i32
      %dma_wait3A_150 = tpu.memref_slice %arg13[%add3A_143, %dma_wait3A_149] : memref<24x128xi32, #tpu.memory_space<vmem>> -> memref<1x128xi32, #tpu.memory_space<vmem>>
      %dma_wait3A_151 = tpu.memref_squeeze %dma_wait3A_150 : memref<1x128xi32, #tpu.memory_space<vmem>> -> memref<128xi32, #tpu.memory_space<vmem>>
      %dma_wait3A_152 = arith.constant 0 : i32
      %dma_wait3A_153 = arith.constant 0 : i32
      %dma_wait3A_154 = tpu.memref_slice %arg7[%dma_wait3A_152, %dma_wait3A_153] : memref<3000x128xf32, #tpu.memory_space<hbm>> -> memref<3000x128xf32, #tpu.memory_space<hbm>>
      tpu.wait_indirect_dma semaphore(%arg18 : memref<!tpu.dma_semaphore, #tpu.memory_space<semaphore_mem>>) src(%dma_wait3A_154 : memref<3000x128xf32, #tpu.memory_space<hbm>>) dst(%dma_wait3A_148 : memref<128x128xf32, #tpu.memory_space<vmem>>)
      %add3A_155 = arith.constant 1 : i32
      %add3A_156 = arith.addi %mul3A_116, %add3A_155 : i32
      %run_scoped3A_157 = arith.constant 1 : i32
      "tpu.region"() ({
        %run_scoped3A_158 = tpu.sem_alloc : memref<!tpu.dma_semaphore, #tpu.memory_space<semaphore_mem>>
        %dma_start3A_159 = arith.constant 0 : i32
        %dma_start3A_160 = arith.constant 0 : i32
        %dma_start3A_161 = tpu.memref_slice %arg15[%run_scoped3A_157, %dma_start3A_159, %dma_start3A_160] : memref<2x128x128xf32, #tpu.memory_space<vmem>> -> memref<1x128x128xf32, #tpu.memory_space<vmem>>
        %dma_start3A_162 = tpu.memref_squeeze %dma_start3A_161 : memref<1x128x128xf32, #tpu.memory_space<vmem>> -> memref<128x128xf32, #tpu.memory_space<vmem>>
        %dma_start3A_163 = arith.constant 0 : i32
        %dma_start3A_164 = tpu.memref_slice %arg14[%add3A_156, %dma_start3A_163] : memref<24x128xi32, #tpu.memory_space<vmem>> -> memref<1x128xi32, #tpu.memory_space<vmem>>
        %dma_start3A_165 = tpu.memref_squeeze %dma_start3A_164 : memref<1x128xi32, #tpu.memory_space<vmem>> -> memref<128xi32, #tpu.memory_space<vmem>>
        %dma_start3A_166 = arith.constant 0 : i32
        %dma_start3A_167 = arith.constant 0 : i32
        %dma_start3A_168 = tpu.memref_slice %arg16[%dma_start3A_166, %dma_start3A_167] : memref<3072x128xf32, #tpu.memory_space<vmem_shared>> -> memref<3072x128xf32, #tpu.memory_space<vmem_shared>>
        tpu.enqueue_indirect_dma source(%dma_start3A_162 : memref<128x128xf32, #tpu.memory_space<vmem>>) target(%dma_start3A_168 : memref<3072x128xf32, #tpu.memory_space<vmem_shared>>) offsets(%dma_start3A_165 : memref<128xi32, #tpu.memory_space<vmem>>) semaphore(%run_scoped3A_158 : memref<!tpu.dma_semaphore, #tpu.memory_space<semaphore_mem>>) {add = true}
        %dma_wait3A_169 = arith.constant 0 : i32
        %dma_wait3A_170 = arith.constant 0 : i32
        %dma_wait3A_171 = tpu.memref_slice %arg15[%run_scoped3A_157, %dma_wait3A_169, %dma_wait3A_170] : memref<2x128x128xf32, #tpu.memory_space<vmem>> -> memref<1x128x128xf32, #tpu.memory_space<vmem>>
        %dma_wait3A_172 = tpu.memref_squeeze %dma_wait3A_171 : memref<1x128x128xf32, #tpu.memory_space<vmem>> -> memref<128x128xf32, #tpu.memory_space<vmem>>
        %dma_wait3A_173 = arith.constant 0 : i32
        %dma_wait3A_174 = tpu.memref_slice %arg14[%add3A_156, %dma_wait3A_173] : memref<24x128xi32, #tpu.memory_space<vmem>> -> memref<1x128xi32, #tpu.memory_space<vmem>>
        %dma_wait3A_175 = tpu.memref_squeeze %dma_wait3A_174 : memref<1x128xi32, #tpu.memory_space<vmem>> -> memref<128xi32, #tpu.memory_space<vmem>>
        %dma_wait3A_176 = arith.constant 0 : i32
        %dma_wait3A_177 = arith.constant 0 : i32
        %dma_wait3A_178 = tpu.memref_slice %arg16[%dma_wait3A_176, %dma_wait3A_177] : memref<3072x128xf32, #tpu.memory_space<vmem_shared>> -> memref<3072x128xf32, #tpu.memory_space<vmem_shared>>
        tpu.wait_indirect_dma semaphore(%run_scoped3A_158 : memref<!tpu.dma_semaphore, #tpu.memory_space<semaphore_mem>>) src(%dma_wait3A_172 : memref<128x128xf32, #tpu.memory_space<vmem>>) dst(%dma_wait3A_178 : memref<3072x128xf32, #tpu.memory_space<vmem_shared>>)
        tpu.yield
      }) : () -> ()
    }
    %scan3A_108 = arith.constant 12 : i32
    %barrier3A_109 = arith.constant 0 : index
    tpu.barrier barrier_id(%barrier3A_109)
    %mul3A_110 = arith.constant 192 : i32
    %mul3A_111 = arith.muli %arg1, %mul3A_110 : i32
    %mul3A_112 = arith.constant 192 : i32
    %mul3A_113 = arith.muli %arg1, %mul3A_112 : i32
    "tpu.region"() ({
      %run_scoped3A = tpu.sem_alloc : memref<!tpu.dma_semaphore, #tpu.memory_space<semaphore_mem>>
      %dma_start3A_114 = arith.constant 0 : i32
      %dma_start3A_115 = tpu.memref_slice %arg12[%arg0, %mul3A_113, %dma_start3A_114] : memref<2x3072x128xf32, #tpu.memory_space<hbm>> -> memref<1x192x128xf32, #tpu.memory_space<hbm>>
      %dma_start3A_116 = tpu.memref_squeeze %dma_start3A_115 : memref<1x192x128xf32, #tpu.memory_space<hbm>> -> memref<192x128xf32, #tpu.memory_space<hbm>>
      %dma_start3A_117 = arith.constant 0 : i32
      %dma_start3A_118 = tpu.memref_slice %arg16[%mul3A_111, %dma_start3A_117] : memref<3072x128xf32, #tpu.memory_space<vmem_shared>> -> memref<192x128xf32, #tpu.memory_space<vmem_shared>>
      tpu.enqueue_dma source(%dma_start3A_118 : memref<192x128xf32, #tpu.memory_space<vmem_shared>>) target(%dma_start3A_116 : memref<192x128xf32, #tpu.memory_space<hbm>>) target_semaphore(%run_scoped3A : memref<!tpu.dma_semaphore, #tpu.memory_space<semaphore_mem>>)
      %dma_wait3A = arith.constant 0 : i32
      %dma_wait3A_119 = tpu.memref_slice %arg12[%arg0, %mul3A_113, %dma_wait3A] : memref<2x3072x128xf32, #tpu.memory_space<hbm>> -> memref<1x192x128xf32, #tpu.memory_space<hbm>>
      %dma_wait3A_120 = tpu.memref_squeeze %dma_wait3A_119 : memref<1x192x128xf32, #tpu.memory_space<hbm>> -> memref<192x128xf32, #tpu.memory_space<hbm>>
      %dma_wait3A_121 = arith.constant 0 : i32
      %dma_wait3A_122 = tpu.memref_slice %arg16[%mul3A_111, %dma_wait3A_121] : memref<3072x128xf32, #tpu.memory_space<vmem_shared>> -> memref<192x128xf32, #tpu.memory_space<vmem_shared>>
      tpu.wait_dma2 semaphore(%run_scoped3A : memref<!tpu.dma_semaphore, #tpu.memory_space<semaphore_mem>>) src(%dma_wait3A_122 : memref<192x128xf32, #tpu.memory_space<vmem_shared>>) dst(%dma_wait3A_120 : memref<192x128xf32, #tpu.memory_space<hbm>>)
      tpu.yield
    }) : () -> ()
    return
  }
}

#map = affine_map<(d0, d1) -> (0, 0)>
#map1 = affine_map<(d0, d1) -> (0)>
#map2 = affine_map<(d0, d1) -> (0, 0, 0)>
module attributes {stable_mosaic.version = 14 : i64} {
  func.func @_sc1_body(%arg0: i32, %arg1: i32, %arg2: memref<768x128xi32, #tpu.memory_space<hbm>>, %arg3: memref<512xi32, #tpu.memory_space<hbm>>, %arg4: memref<3000x512xf32, #tpu.memory_space<hbm>>, %arg5: memref<3072x128xf32, #tpu.memory_space<hbm>>, %arg6: memref<128x128xf32, #tpu.memory_space<hbm>>, %arg7: memref<2x3072x128xf32, #tpu.memory_space<hbm>>, %arg8: memref<512x512xf32, #tpu.memory_space<hbm>>, %arg9: memref<24x128xi32, #tpu.memory_space<vmem>>, %arg10: memref<128x128xf32, #tpu.memory_space<vmem>>, %arg11: memref<16xi32, #tpu.memory_space<vmem>>, %arg12: memref<16x512xf32, #tpu.memory_space<vmem>>, %arg13: memref<3072x128xf32, #tpu.memory_space<vmem_shared>>, %arg14: memref<!tpu.dma_semaphore, #tpu.memory_space<semaphore_mem>>, %arg15: memref<!tpu.dma_semaphore, #tpu.memory_space<semaphore_mem>>) attributes {dimension_semantics = [#tpu.dimension_semantics<core_parallel>, #tpu.dimension_semantics<subcore_parallel>], iteration_bounds = array<i64: 2, 16>, scalar_prefetch = 0 : i64, scratch_operands = 7 : i64, tpu.core_type = #tpu.core_type<sc_vector_subcore>, window_params = [{transform_indices = #map}, {transform_indices = #map1}, {transform_indices = #map}, {transform_indices = #map}, {transform_indices = #map}, {transform_indices = #map2}, {transform_indices = #map}]} {
    %mul3A = arith.constant 2 : i32
    %mul3A_0 = arith.muli %arg1, %mul3A : i32
    %add3A = arith.addi %mul3A_0, %arg0 : i32
    %mul3A_1 = arith.constant 192 : i32
    %mul3A_2 = arith.muli %arg1, %mul3A_1 : i32
    %mul3A_3 = arith.constant 192 : i32
    %mul3A_4 = arith.muli %arg1, %mul3A_3 : i32
    "tpu.region"() ({
      %run_scoped3A = tpu.sem_alloc : memref<!tpu.dma_semaphore, #tpu.memory_space<semaphore_mem>>
      %dma_start3A_31 = arith.constant 0 : i32
      %dma_start3A_32 = tpu.memref_slice %arg13[%mul3A_4, %dma_start3A_31] : memref<3072x128xf32, #tpu.memory_space<vmem_shared>> -> memref<192x128xf32, #tpu.memory_space<vmem_shared>>
      %dma_start3A_33 = arith.constant 0 : i32
      %dma_start3A_34 = tpu.memref_slice %arg5[%mul3A_2, %dma_start3A_33] : memref<3072x128xf32, #tpu.memory_space<hbm>> -> memref<192x128xf32, #tpu.memory_space<hbm>>
      tpu.enqueue_dma source(%dma_start3A_34 : memref<192x128xf32, #tpu.memory_space<hbm>>) target(%dma_start3A_32 : memref<192x128xf32, #tpu.memory_space<vmem_shared>>) target_semaphore(%run_scoped3A : memref<!tpu.dma_semaphore, #tpu.memory_space<semaphore_mem>>)
      %dma_wait3A_35 = arith.constant 0 : i32
      %dma_wait3A_36 = tpu.memref_slice %arg13[%mul3A_4, %dma_wait3A_35] : memref<3072x128xf32, #tpu.memory_space<vmem_shared>> -> memref<192x128xf32, #tpu.memory_space<vmem_shared>>
      %dma_wait3A_37 = arith.constant 0 : i32
      %dma_wait3A_38 = tpu.memref_slice %arg5[%mul3A_2, %dma_wait3A_37] : memref<3072x128xf32, #tpu.memory_space<hbm>> -> memref<192x128xf32, #tpu.memory_space<hbm>>
      tpu.wait_dma2 semaphore(%run_scoped3A : memref<!tpu.dma_semaphore, #tpu.memory_space<semaphore_mem>>) src(%dma_wait3A_38 : memref<192x128xf32, #tpu.memory_space<hbm>>) dst(%dma_wait3A_36 : memref<192x128xf32, #tpu.memory_space<vmem_shared>>)
      tpu.yield
    }) : () -> ()
    "tpu.region"() ({
      %run_scoped3A = tpu.sem_alloc : memref<!tpu.dma_semaphore, #tpu.memory_space<semaphore_mem>>
      tpu.enqueue_dma source(%arg6 : memref<128x128xf32, #tpu.memory_space<hbm>>) target(%arg10 : memref<128x128xf32, #tpu.memory_space<vmem>>) target_semaphore(%run_scoped3A : memref<!tpu.dma_semaphore, #tpu.memory_space<semaphore_mem>>)
      tpu.wait_dma2 semaphore(%run_scoped3A : memref<!tpu.dma_semaphore, #tpu.memory_space<semaphore_mem>>) src(%arg6 : memref<128x128xf32, #tpu.memory_space<hbm>>) dst(%arg10 : memref<128x128xf32, #tpu.memory_space<vmem>>)
      tpu.yield
    }) : () -> ()
    %mul3A_5 = arith.constant 24 : i32
    %mul3A_6 = arith.muli %add3A, %mul3A_5 : i32
    "tpu.region"() ({
      %run_scoped3A = tpu.sem_alloc : memref<!tpu.dma_semaphore, #tpu.memory_space<semaphore_mem>>
      %dma_start3A_31 = arith.constant 0 : i32
      %dma_start3A_32 = tpu.memref_slice %arg2[%mul3A_6, %dma_start3A_31] : memref<768x128xi32, #tpu.memory_space<hbm>> -> memref<24x128xi32, #tpu.memory_space<hbm>>
      %dma_start3A_33 = arith.constant 0 : i32
      %dma_start3A_34 = tpu.memref_slice %arg2[%mul3A_6, %dma_start3A_33] : memref<768x128xi32, #tpu.memory_space<hbm>> -> memref<24x128xi32, #tpu.memory_space<hbm>>
      tpu.enqueue_dma source(%dma_start3A_34 : memref<24x128xi32, #tpu.memory_space<hbm>>) target(%arg9 : memref<24x128xi32, #tpu.memory_space<vmem>>) target_semaphore(%run_scoped3A : memref<!tpu.dma_semaphore, #tpu.memory_space<semaphore_mem>>)
      %dma_wait3A_35 = arith.constant 0 : i32
      %dma_wait3A_36 = tpu.memref_slice %arg2[%mul3A_6, %dma_wait3A_35] : memref<768x128xi32, #tpu.memory_space<hbm>> -> memref<24x128xi32, #tpu.memory_space<hbm>>
      %dma_wait3A_37 = arith.constant 0 : i32
      %dma_wait3A_38 = tpu.memref_slice %arg2[%mul3A_6, %dma_wait3A_37] : memref<768x128xi32, #tpu.memory_space<hbm>> -> memref<24x128xi32, #tpu.memory_space<hbm>>
      tpu.wait_dma2 semaphore(%run_scoped3A : memref<!tpu.dma_semaphore, #tpu.memory_space<semaphore_mem>>) src(%dma_wait3A_38 : memref<24x128xi32, #tpu.memory_space<hbm>>) dst(%arg9 : memref<24x128xi32, #tpu.memory_space<vmem>>)
      tpu.yield
    }) : () -> ()
    %mul3A_7 = arith.constant 16 : i32
    %mul3A_8 = arith.muli %add3A, %mul3A_7 : i32
    "tpu.region"() ({
      %run_scoped3A = tpu.sem_alloc : memref<!tpu.dma_semaphore, #tpu.memory_space<semaphore_mem>>
      %dma_start3A_31 = tpu.memref_slice %arg3[%mul3A_8] : memref<512xi32, #tpu.memory_space<hbm>> -> memref<16xi32, #tpu.memory_space<hbm>>
      %dma_start3A_32 = tpu.memref_slice %arg3[%mul3A_8] : memref<512xi32, #tpu.memory_space<hbm>> -> memref<16xi32, #tpu.memory_space<hbm>>
      tpu.enqueue_dma source(%dma_start3A_32 : memref<16xi32, #tpu.memory_space<hbm>>) target(%arg11 : memref<16xi32, #tpu.memory_space<vmem>>) target_semaphore(%run_scoped3A : memref<!tpu.dma_semaphore, #tpu.memory_space<semaphore_mem>>)
      %dma_wait3A_33 = tpu.memref_slice %arg3[%mul3A_8] : memref<512xi32, #tpu.memory_space<hbm>> -> memref<16xi32, #tpu.memory_space<hbm>>
      %dma_wait3A_34 = tpu.memref_slice %arg3[%mul3A_8] : memref<512xi32, #tpu.memory_space<hbm>> -> memref<16xi32, #tpu.memory_space<hbm>>
      tpu.wait_dma2 semaphore(%run_scoped3A : memref<!tpu.dma_semaphore, #tpu.memory_space<semaphore_mem>>) src(%dma_wait3A_34 : memref<16xi32, #tpu.memory_space<hbm>>) dst(%arg11 : memref<16xi32, #tpu.memory_space<vmem>>)
      tpu.yield
    }) : () -> ()
    %dma_start3A = arith.constant 0 : i32
    %dma_start3A_9 = arith.constant 0 : i32
    %dma_start3A_10 = tpu.memref_slice %arg4[%dma_start3A, %dma_start3A_9] : memref<3000x512xf32, #tpu.memory_space<hbm>> -> memref<3000x512xf32, #tpu.memory_space<hbm>>
    tpu.enqueue_indirect_dma source(%dma_start3A_10 : memref<3000x512xf32, #tpu.memory_space<hbm>>) target(%arg12 : memref<16x512xf32, #tpu.memory_space<vmem>>) offsets(%arg11 : memref<16xi32, #tpu.memory_space<vmem>>) semaphore(%arg15 : memref<!tpu.dma_semaphore, #tpu.memory_space<semaphore_mem>>)
    %barrier3A = arith.constant 0 : index
    tpu.barrier barrier_id(%barrier3A)
    %scan3A = arith.constant 0 : i32
    %scan3A_11 = arith.constant 0 : i32
    %scan3A_12 = arith.constant 24 : i32
    %scan3A_13 = arith.addi %scan3A_11, %scan3A_12 : i32
    %scan3A_14 = arith.constant 1 : i32
    scf.for %scan3A_31 = %scan3A_11 to %scan3A_13 step %scan3A_14  : i32 {
      %dma_start3A_32 = arith.constant 0 : i32
      %dma_start3A_33 = tpu.memref_slice %arg9[%scan3A_31, %dma_start3A_32] : memref<24x128xi32, #tpu.memory_space<vmem>> -> memref<1x128xi32, #tpu.memory_space<vmem>>
      %dma_start3A_34 = tpu.memref_squeeze %dma_start3A_33 : memref<1x128xi32, #tpu.memory_space<vmem>> -> memref<128xi32, #tpu.memory_space<vmem>>
      %dma_start3A_35 = arith.constant 0 : i32
      %dma_start3A_36 = arith.constant 0 : i32
      %dma_start3A_37 = tpu.memref_slice %arg13[%dma_start3A_35, %dma_start3A_36] : memref<3072x128xf32, #tpu.memory_space<vmem_shared>> -> memref<3072x128xf32, #tpu.memory_space<vmem_shared>>
      tpu.enqueue_indirect_dma source(%arg10 : memref<128x128xf32, #tpu.memory_space<vmem>>) target(%dma_start3A_37 : memref<3072x128xf32, #tpu.memory_space<vmem_shared>>) offsets(%dma_start3A_34 : memref<128xi32, #tpu.memory_space<vmem>>) semaphore(%arg14 : memref<!tpu.dma_semaphore, #tpu.memory_space<semaphore_mem>>) {add = true}
    }
    %scan3A_15 = arith.constant 24 : i32
    %scan3A_16 = arith.constant 0 : i32
    %scan3A_17 = arith.constant 0 : i32
    %scan3A_18 = arith.constant 24 : i32
    %scan3A_19 = arith.addi %scan3A_17, %scan3A_18 : i32
    %scan3A_20 = arith.constant 1 : i32
    scf.for %scan3A_31 = %scan3A_17 to %scan3A_19 step %scan3A_20  : i32 {
      %dma_wait3A_32 = arith.constant 0 : i32
      %dma_wait3A_33 = tpu.memref_slice %arg9[%scan3A_31, %dma_wait3A_32] : memref<24x128xi32, #tpu.memory_space<vmem>> -> memref<1x128xi32, #tpu.memory_space<vmem>>
      %dma_wait3A_34 = tpu.memref_squeeze %dma_wait3A_33 : memref<1x128xi32, #tpu.memory_space<vmem>> -> memref<128xi32, #tpu.memory_space<vmem>>
      %dma_wait3A_35 = arith.constant 0 : i32
      %dma_wait3A_36 = arith.constant 0 : i32
      %dma_wait3A_37 = tpu.memref_slice %arg13[%dma_wait3A_35, %dma_wait3A_36] : memref<3072x128xf32, #tpu.memory_space<vmem_shared>> -> memref<3072x128xf32, #tpu.memory_space<vmem_shared>>
      tpu.wait_indirect_dma semaphore(%arg14 : memref<!tpu.dma_semaphore, #tpu.memory_space<semaphore_mem>>) src(%arg10 : memref<128x128xf32, #tpu.memory_space<vmem>>) dst(%dma_wait3A_37 : memref<3072x128xf32, #tpu.memory_space<vmem_shared>>)
    }
    %scan3A_21 = arith.constant 24 : i32
    %barrier3A_22 = arith.constant 0 : index
    tpu.barrier barrier_id(%barrier3A_22)
    %mul3A_23 = arith.constant 192 : i32
    %mul3A_24 = arith.muli %arg1, %mul3A_23 : i32
    %mul3A_25 = arith.constant 192 : i32
    %mul3A_26 = arith.muli %arg1, %mul3A_25 : i32
    "tpu.region"() ({
      %run_scoped3A = tpu.sem_alloc : memref<!tpu.dma_semaphore, #tpu.memory_space<semaphore_mem>>
      %dma_start3A_31 = arith.constant 0 : i32
      %dma_start3A_32 = tpu.memref_slice %arg7[%arg0, %mul3A_26, %dma_start3A_31] : memref<2x3072x128xf32, #tpu.memory_space<hbm>> -> memref<1x192x128xf32, #tpu.memory_space<hbm>>
      %dma_start3A_33 = tpu.memref_squeeze %dma_start3A_32 : memref<1x192x128xf32, #tpu.memory_space<hbm>> -> memref<192x128xf32, #tpu.memory_space<hbm>>
      %dma_start3A_34 = arith.constant 0 : i32
      %dma_start3A_35 = tpu.memref_slice %arg13[%mul3A_24, %dma_start3A_34] : memref<3072x128xf32, #tpu.memory_space<vmem_shared>> -> memref<192x128xf32, #tpu.memory_space<vmem_shared>>
      tpu.enqueue_dma source(%dma_start3A_35 : memref<192x128xf32, #tpu.memory_space<vmem_shared>>) target(%dma_start3A_33 : memref<192x128xf32, #tpu.memory_space<hbm>>) target_semaphore(%run_scoped3A : memref<!tpu.dma_semaphore, #tpu.memory_space<semaphore_mem>>)
      %dma_wait3A_36 = arith.constant 0 : i32
      %dma_wait3A_37 = tpu.memref_slice %arg7[%arg0, %mul3A_26, %dma_wait3A_36] : memref<2x3072x128xf32, #tpu.memory_space<hbm>> -> memref<1x192x128xf32, #tpu.memory_space<hbm>>
      %dma_wait3A_38 = tpu.memref_squeeze %dma_wait3A_37 : memref<1x192x128xf32, #tpu.memory_space<hbm>> -> memref<192x128xf32, #tpu.memory_space<hbm>>
      %dma_wait3A_39 = arith.constant 0 : i32
      %dma_wait3A_40 = tpu.memref_slice %arg13[%mul3A_24, %dma_wait3A_39] : memref<3072x128xf32, #tpu.memory_space<vmem_shared>> -> memref<192x128xf32, #tpu.memory_space<vmem_shared>>
      tpu.wait_dma2 semaphore(%run_scoped3A : memref<!tpu.dma_semaphore, #tpu.memory_space<semaphore_mem>>) src(%dma_wait3A_40 : memref<192x128xf32, #tpu.memory_space<vmem_shared>>) dst(%dma_wait3A_38 : memref<192x128xf32, #tpu.memory_space<hbm>>)
      tpu.yield
    }) : () -> ()
    %dma_wait3A = arith.constant 0 : i32
    %dma_wait3A_27 = arith.constant 0 : i32
    %dma_wait3A_28 = tpu.memref_slice %arg4[%dma_wait3A, %dma_wait3A_27] : memref<3000x512xf32, #tpu.memory_space<hbm>> -> memref<3000x512xf32, #tpu.memory_space<hbm>>
    tpu.wait_indirect_dma semaphore(%arg15 : memref<!tpu.dma_semaphore, #tpu.memory_space<semaphore_mem>>) src(%dma_wait3A_28 : memref<3000x512xf32, #tpu.memory_space<hbm>>) dst(%arg12 : memref<16x512xf32, #tpu.memory_space<vmem>>)
    %mul3A_29 = arith.constant 16 : i32
    %mul3A_30 = arith.muli %add3A, %mul3A_29 : i32
    "tpu.region"() ({
      %run_scoped3A = tpu.sem_alloc : memref<!tpu.dma_semaphore, #tpu.memory_space<semaphore_mem>>
      %dma_start3A_31 = arith.constant 0 : i32
      %dma_start3A_32 = tpu.memref_slice %arg8[%mul3A_30, %dma_start3A_31] : memref<512x512xf32, #tpu.memory_space<hbm>> -> memref<16x512xf32, #tpu.memory_space<hbm>>
      %dma_start3A_33 = arith.constant 0 : i32
      %dma_start3A_34 = tpu.memref_slice %arg8[%mul3A_30, %dma_start3A_33] : memref<512x512xf32, #tpu.memory_space<hbm>> -> memref<16x512xf32, #tpu.memory_space<hbm>>
      tpu.enqueue_dma source(%arg12 : memref<16x512xf32, #tpu.memory_space<vmem>>) target(%dma_start3A_34 : memref<16x512xf32, #tpu.memory_space<hbm>>) target_semaphore(%run_scoped3A : memref<!tpu.dma_semaphore, #tpu.memory_space<semaphore_mem>>)
      %dma_wait3A_35 = arith.constant 0 : i32
      %dma_wait3A_36 = tpu.memref_slice %arg8[%mul3A_30, %dma_wait3A_35] : memref<512x512xf32, #tpu.memory_space<hbm>> -> memref<16x512xf32, #tpu.memory_space<hbm>>
      %dma_wait3A_37 = arith.constant 0 : i32
      %dma_wait3A_38 = tpu.memref_slice %arg8[%mul3A_30, %dma_wait3A_37] : memref<512x512xf32, #tpu.memory_space<hbm>> -> memref<16x512xf32, #tpu.memory_space<hbm>>
      tpu.wait_dma2 semaphore(%run_scoped3A : memref<!tpu.dma_semaphore, #tpu.memory_space<semaphore_mem>>) src(%arg12 : memref<16x512xf32, #tpu.memory_space<vmem>>) dst(%dma_wait3A_38 : memref<16x512xf32, #tpu.memory_space<hbm>>)
      tpu.yield
    }) : () -> ()
    return
  }
}

module attributes {stable_mosaic.version = 14 : i64} {
  func.func @_tc1_body(%arg0: memref<3000x512xf32, #tpu.memory_space<vmem>>, %arg1: memref<512x512xf32, #tpu.memory_space<vmem>>, %arg2: memref<1x512xf32, #tpu.memory_space<vmem>>, %arg3: memref<3000x512xf32, #tpu.memory_space<vmem>>) attributes {dimension_semantics = [], scalar_prefetch = 0 : i64, scratch_operands = 0 : i64, tpu.core_type = #tpu.core_type<tc>} {
    %get3A = arith.constant 0 : index
    %get3A_0 = arith.constant 0 : index
    %get3A_1 = vector.load %arg0[%get3A, %get3A_0] : memref<3000x512xf32, #tpu.memory_space<vmem>>, vector<3000x512xf32>
    %get3A_2 = arith.constant 0 : index
    %get3A_3 = arith.constant 0 : index
    %get3A_4 = vector.load %arg1[%get3A_2, %get3A_3] : memref<512x512xf32, #tpu.memory_space<vmem>>, vector<512x512xf32>
    %dot_general3A = arith.constant dense<0.000000e+00> : vector<3000x512xf32>
    %dot_general3A_5 = tpu.matmul %get3A_1, %get3A_4, %dot_general3A {dimension_numbers = #tpu.dot_dimension_numbers<[1], [1], [0], [0], [0, 0, 1, 0], [], []>, transpose_lhs_hint = false} : vector<3000x512xf32>, vector<512x512xf32>, vector<3000x512xf32> -> vector<3000x512xf32>
    %get3A_6 = arith.constant 0 : index
    %get3A_7 = arith.constant 0 : index
    %get3A_8 = vector.load %arg2[%get3A_6, %get3A_7] : memref<1x512xf32, #tpu.memory_space<vmem>>, vector<1x512xf32>
    %add3A = vector.broadcast %get3A_8 : vector<1x512xf32> to vector<3000x512xf32>
    %add3A_9 = arith.addf %dot_general3A_5, %add3A : vector<3000x512xf32>
    %max3A = arith.constant 0.000000e+00 : f32
    %max3A_10 = vector.broadcast %max3A : f32 to vector<3000x512xf32>
    %max3A_11 = arith.maximumf %add3A_9, %max3A_10 : vector<3000x512xf32>
    %swap3A = arith.constant 0 : index
    %swap3A_12 = arith.constant 0 : index
    %swap3A_13 = vector.load %arg3[%swap3A, %swap3A_12] : memref<3000x512xf32, #tpu.memory_space<vmem>>, vector<3000x512xf32>
    tpu.vector_store %arg3[%swap3A, %swap3A_12], %max3A_11 {strides = array<i32>} : memref<3000x512xf32, #tpu.memory_space<vmem>>, vector<3000x512xf32>,
    return
  }
}

module attributes {stable_mosaic.version = 14 : i64} {
  func.func @_tc2_body(%arg0: memref<512x512xf32, #tpu.memory_space<vmem>>, %arg1: memref<512x1xf32, #tpu.memory_space<vmem>>, %arg2: memref<1536x512xf32, #tpu.memory_space<vmem>>, %arg3: memref<1536x512xf32, #tpu.memory_space<vmem>>, %arg4: memref<1x1536xf32, #tpu.memory_space<vmem>>, %arg5: memref<1x1536xf32, #tpu.memory_space<vmem>>, %arg6: memref<512x512xf32, #tpu.memory_space<vmem>>, %arg7: memref<3000x512xf32, #tpu.memory_space<vmem>>, %arg8: memref<2x3072x128xf32, #tpu.memory_space<vmem>>, %arg9: memref<3000x128xf32, #tpu.memory_space<vmem>>, %arg10: memref<3000x128xf32, #tpu.memory_space<vmem>>, %arg11: memref<3000x128xf32, #tpu.memory_space<vmem>>, %arg12: memref<3000x128xf32, #tpu.memory_space<vmem>>, %arg13: memref<3000x1xf32, #tpu.memory_space<vmem>>) attributes {dimension_semantics = [], scalar_prefetch = 0 : i64, scratch_operands = 0 : i64, tpu.core_type = #tpu.core_type<tc>} {
    %get3A = arith.constant 0 : index
    %get3A_0 = arith.constant 0 : index
    %get3A_1 = vector.load %arg0[%get3A, %get3A_0] : memref<512x512xf32, #tpu.memory_space<vmem>>, vector<512x512xf32>
    %get3A_2 = arith.constant 0 : index
    %get3A_3 = arith.constant 0 : index
    %get3A_4 = vector.load %arg1[%get3A_2, %get3A_3] : memref<512x1xf32, #tpu.memory_space<vmem>>, vector<512x1xf32>
    %mul3A = vector.broadcast %get3A_4 : vector<512x1xf32> to vector<512x512xf32>
    %mul3A_5 = arith.mulf %get3A_1, %mul3A : vector<512x512xf32>
    %get3A_6 = arith.constant 0 : index
    %get3A_7 = arith.constant 0 : index
    %get3A_8 = vector.load %arg2[%get3A_6, %get3A_7] : memref<1536x512xf32, #tpu.memory_space<vmem>>, vector<1536x512xf32>
    %dot_general3A = arith.constant dense<0.000000e+00> : vector<512x1536xf32>
    %dot_general3A_9 = tpu.matmul %mul3A_5, %get3A_8, %dot_general3A {dimension_numbers = #tpu.dot_dimension_numbers<[1], [1], [0], [0], [0, 0, 1, 0], [], []>, transpose_lhs_hint = false} : vector<512x512xf32>, vector<1536x512xf32>, vector<512x1536xf32> -> vector<512x1536xf32>
    %get3A_10 = arith.constant 0 : index
    %get3A_11 = arith.constant 0 : index
    %get3A_12 = vector.load %arg4[%get3A_10, %get3A_11] : memref<1x1536xf32, #tpu.memory_space<vmem>>, vector<1x1536xf32>
    %add3A = vector.broadcast %get3A_12 : vector<1x1536xf32> to vector<512x1536xf32>
    %add3A_13 = arith.addf %dot_general3A_9, %add3A : vector<512x1536xf32>
    %get3A_14 = arith.constant 0 : index
    %get3A_15 = arith.constant 0 : index
    %get3A_16 = vector.load %arg6[%get3A_14, %get3A_15] : memref<512x512xf32, #tpu.memory_space<vmem>>, vector<512x512xf32>
    %get3A_17 = arith.constant 0 : index
    %get3A_18 = arith.constant 0 : index
    %get3A_19 = vector.load %arg3[%get3A_17, %get3A_18] : memref<1536x512xf32, #tpu.memory_space<vmem>>, vector<1536x512xf32>
    %dot_general3A_20 = arith.constant dense<0.000000e+00> : vector<512x1536xf32>
    %dot_general3A_21 = tpu.matmul %get3A_16, %get3A_19, %dot_general3A_20 {dimension_numbers = #tpu.dot_dimension_numbers<[1], [1], [0], [0], [0, 0, 1, 0], [], []>, transpose_lhs_hint = false} : vector<512x512xf32>, vector<1536x512xf32>, vector<512x1536xf32> -> vector<512x1536xf32>
    %get3A_22 = arith.constant 0 : index
    %get3A_23 = arith.constant 0 : index
    %get3A_24 = vector.load %arg5[%get3A_22, %get3A_23] : memref<1x1536xf32, #tpu.memory_space<vmem>>, vector<1x1536xf32>
    %add3A_25 = vector.broadcast %get3A_24 : vector<1x1536xf32> to vector<512x1536xf32>
    %add3A_26 = arith.addf %dot_general3A_21, %add3A_25 : vector<512x1536xf32>
    %slice3A = vector.extract_strided_slice %add3A_13 {offsets = [0, 0], sizes = [512, 512], strides = [1, 1]} : vector<512x1536xf32> to vector<512x512xf32>
    %slice3A_27 = vector.extract_strided_slice %add3A_26 {offsets = [0, 0], sizes = [512, 512], strides = [1, 1]} : vector<512x1536xf32> to vector<512x512xf32>
    %add3A_28 = arith.addf %slice3A, %slice3A_27 : vector<512x512xf32>
    %logistic3A = arith.negf %add3A_28 : vector<512x512xf32>
    %logistic3A_29 = math.exp %logistic3A : vector<512x512xf32>
    %logistic3A_30 = arith.constant 1.000000e+00 : f32
    %logistic3A_31 = vector.broadcast %logistic3A_30 : f32 to vector<512x512xf32>
    %logistic3A_32 = arith.addf %logistic3A_31, %logistic3A_29 : vector<512x512xf32>
    %logistic3A_33 = arith.divf %logistic3A_31, %logistic3A_32 : vector<512x512xf32>
    %slice3A_34 = vector.extract_strided_slice %add3A_13 {offsets = [0, 512], sizes = [512, 512], strides = [1, 1]} : vector<512x1536xf32> to vector<512x512xf32>
    %slice3A_35 = vector.extract_strided_slice %add3A_26 {offsets = [0, 512], sizes = [512, 512], strides = [1, 1]} : vector<512x1536xf32> to vector<512x512xf32>
    %add3A_36 = arith.addf %slice3A_34, %slice3A_35 : vector<512x512xf32>
    %logistic3A_37 = arith.negf %add3A_36 : vector<512x512xf32>
    %logistic3A_38 = math.exp %logistic3A_37 : vector<512x512xf32>
    %logistic3A_39 = arith.constant 1.000000e+00 : f32
    %logistic3A_40 = vector.broadcast %logistic3A_39 : f32 to vector<512x512xf32>
    %logistic3A_41 = arith.addf %logistic3A_40, %logistic3A_38 : vector<512x512xf32>
    %logistic3A_42 = arith.divf %logistic3A_40, %logistic3A_41 : vector<512x512xf32>
    %slice3A_43 = vector.extract_strided_slice %add3A_13 {offsets = [0, 1024], sizes = [512, 512], strides = [1, 1]} : vector<512x1536xf32> to vector<512x512xf32>
    %slice3A_44 = vector.extract_strided_slice %add3A_26 {offsets = [0, 1024], sizes = [512, 512], strides = [1, 1]} : vector<512x1536xf32> to vector<512x512xf32>
    %mul3A_45 = arith.mulf %logistic3A_33, %slice3A_44 : vector<512x512xf32>
    %add3A_46 = arith.addf %slice3A_43, %mul3A_45 : vector<512x512xf32>
    %tanh3A = math.tanh %add3A_46 : vector<512x512xf32>
    %sub3A = arith.constant 1.000000e+00 : f32
    %sub3A_47 = vector.broadcast %sub3A : f32 to vector<512x512xf32>
    %sub3A_48 = arith.subf %sub3A_47, %logistic3A_42 : vector<512x512xf32>
    %mul3A_49 = arith.mulf %sub3A_48, %tanh3A : vector<512x512xf32>
    %mul3A_50 = arith.mulf %logistic3A_42, %get3A_16 : vector<512x512xf32>
    %add3A_51 = arith.addf %mul3A_49, %mul3A_50 : vector<512x512xf32>
    %get3A_52 = arith.constant 0 : index
    %get3A_53 = arith.constant 0 : index
    %get3A_54 = vector.load %arg7[%get3A_52, %get3A_53] : memref<3000x512xf32, #tpu.memory_space<vmem>>, vector<3000x512xf32>
    %dot_general3A_55 = arith.constant dense<0.000000e+00> : vector<3000x512xf32>
    %dot_general3A_56 = tpu.matmul %get3A_54, %add3A_51, %dot_general3A_55 {dimension_numbers = #tpu.dot_dimension_numbers<[1], [0], [0], [1], [0, 0, 1, 1], [], []>, transpose_lhs_hint = false} : vector<3000x512xf32>, vector<512x512xf32>, vector<3000x512xf32> -> vector<3000x512xf32>
    %get3A_57 = arith.constant 0 : index
    %get3A_58 = arith.constant 0 : index
    %get3A_59 = arith.constant 0 : index
    %get3A_60 = vector.load %arg8[%get3A_57, %get3A_58, %get3A_59] : memref<2x3072x128xf32, #tpu.memory_space<vmem>>, vector<1x3072x128xf32>
    %get3A_61 = vector.shape_cast %get3A_60 : vector<1x3072x128xf32> to vector<3072x128xf32>
    %get3A_62 = arith.constant 1 : index
    %get3A_63 = arith.constant 0 : index
    %get3A_64 = arith.constant 0 : index
    %get3A_65 = vector.load %arg8[%get3A_62, %get3A_63, %get3A_64] : memref<2x3072x128xf32, #tpu.memory_space<vmem>>, vector<1x3072x128xf32>
    %get3A_66 = vector.shape_cast %get3A_65 : vector<1x3072x128xf32> to vector<3072x128xf32>
    %add3A_67 = arith.addf %get3A_61, %get3A_66 : vector<3072x128xf32>
    %reduce_sum3A = arith.constant dense<0.000000e+00> : vector<3072xf32>
    %reduce_sum3A_68 = vector.multi_reduction <add>, %add3A_67, %reduce_sum3A [1] : vector<3072x128xf32> to vector<3072xf32>
    %broadcast_in_dim3A = vector.shape_cast %reduce_sum3A_68 : vector<3072xf32> to vector<3072x1xf32>
    %slice3A_69 = vector.extract_strided_slice %broadcast_in_dim3A {offsets = [0, 0], sizes = [3000, 1], strides = [1, 1]} : vector<3072x1xf32> to vector<3000x1xf32>
    %mul3A_70 = arith.constant 7.812500e-03 : f32
    %mul3A_71 = vector.broadcast %mul3A_70 : f32 to vector<3000x1xf32>
    %mul3A_72 = arith.mulf %slice3A_69, %mul3A_71 : vector<3000x1xf32>
    %add3A_73 = arith.constant 1.000000e+00 : f32
    %add3A_74 = vector.broadcast %add3A_73 : f32 to vector<3000x1xf32>
    %add3A_75 = arith.addf %mul3A_72, %add3A_74 : vector<3000x1xf32>
    %rsqrt3A = math.rsqrt %add3A_75 : vector<3000x1xf32>
    %mul3A_76 = vector.broadcast %rsqrt3A : vector<3000x1xf32> to vector<3000x512xf32>
    %mul3A_77 = arith.mulf %dot_general3A_56, %mul3A_76 : vector<3000x512xf32>
    %slice3A_78 = vector.extract_strided_slice %mul3A_77 {offsets = [0, 0], sizes = [3000, 128], strides = [1, 1]} : vector<3000x512xf32> to vector<3000x128xf32>
    %swap3A = arith.constant 0 : index
    %swap3A_79 = arith.constant 0 : index
    %swap3A_80 = vector.load %arg9[%swap3A, %swap3A_79] : memref<3000x128xf32, #tpu.memory_space<vmem>>, vector<3000x128xf32>
    tpu.vector_store %arg9[%swap3A, %swap3A_79], %slice3A_78 {strides = array<i32>} : memref<3000x128xf32, #tpu.memory_space<vmem>>, vector<3000x128xf32>,
    %slice3A_81 = vector.extract_strided_slice %mul3A_77 {offsets = [0, 128], sizes = [3000, 128], strides = [1, 1]} : vector<3000x512xf32> to vector<3000x128xf32>
    %swap3A_82 = arith.constant 0 : index
    %swap3A_83 = arith.constant 0 : index
    %swap3A_84 = vector.load %arg10[%swap3A_82, %swap3A_83] : memref<3000x128xf32, #tpu.memory_space<vmem>>, vector<3000x128xf32>
    tpu.vector_store %arg10[%swap3A_82, %swap3A_83], %slice3A_81 {strides = array<i32>} : memref<3000x128xf32, #tpu.memory_space<vmem>>, vector<3000x128xf32>,
    %slice3A_85 = vector.extract_strided_slice %mul3A_77 {offsets = [0, 256], sizes = [3000, 128], strides = [1, 1]} : vector<3000x512xf32> to vector<3000x128xf32>
    %swap3A_86 = arith.constant 0 : index
    %swap3A_87 = arith.constant 0 : index
    %swap3A_88 = vector.load %arg11[%swap3A_86, %swap3A_87] : memref<3000x128xf32, #tpu.memory_space<vmem>>, vector<3000x128xf32>
    tpu.vector_store %arg11[%swap3A_86, %swap3A_87], %slice3A_85 {strides = array<i32>} : memref<3000x128xf32, #tpu.memory_space<vmem>>, vector<3000x128xf32>,
    %slice3A_89 = vector.extract_strided_slice %mul3A_77 {offsets = [0, 384], sizes = [3000, 128], strides = [1, 1]} : vector<3000x512xf32> to vector<3000x128xf32>
    %swap3A_90 = arith.constant 0 : index
    %swap3A_91 = arith.constant 0 : index
    %swap3A_92 = vector.load %arg12[%swap3A_90, %swap3A_91] : memref<3000x128xf32, #tpu.memory_space<vmem>>, vector<3000x128xf32>
    tpu.vector_store %arg12[%swap3A_90, %swap3A_91], %slice3A_89 {strides = array<i32>} : memref<3000x128xf32, #tpu.memory_space<vmem>>, vector<3000x128xf32>,
    %swap3A_93 = arith.constant 0 : index
    %swap3A_94 = arith.constant 0 : index
    %swap3A_95 = vector.load %arg13[%swap3A_93, %swap3A_94] : memref<3000x1xf32, #tpu.memory_space<vmem>>, vector<3000x1xf32>
    tpu.vector_store %arg13[%swap3A_93, %swap3A_94], %rsqrt3A {strides = array<i32>} : memref<3000x1xf32, #tpu.memory_space<vmem>>, vector<3000x1xf32>,
    return
  }
}

module attributes {stable_mosaic.version = 14 : i64} {
  func.func @_tc3_body(%arg0: memref<2x3072x128xf32, #tpu.memory_space<vmem>>, %arg1: memref<2x3072x128xf32, #tpu.memory_space<vmem>>, %arg2: memref<2x3072x128xf32, #tpu.memory_space<vmem>>, %arg3: memref<2x3072x128xf32, #tpu.memory_space<vmem>>, %arg4: memref<3000x128xf32, #tpu.memory_space<vmem>>, %arg5: memref<3000x128xf32, #tpu.memory_space<vmem>>, %arg6: memref<3000x128xf32, #tpu.memory_space<vmem>>, %arg7: memref<3000x128xf32, #tpu.memory_space<vmem>>, %arg8: memref<3000x1xf32, #tpu.memory_space<vmem>>, %arg9: memref<128x512xf32, #tpu.memory_space<vmem>>, %arg10: memref<1x1xf32, #tpu.memory_space<vmem>>, %arg11: memref<3000x512xf32, #tpu.memory_space<vmem>>, %arg12: memref<3000x1xf32, #tpu.memory_space<vmem>>) attributes {dimension_semantics = [], scalar_prefetch = 0 : i64, scratch_operands = 0 : i64, tpu.core_type = #tpu.core_type<tc>} {
    %get3A = arith.constant 0 : index
    %get3A_0 = arith.constant 0 : index
    %get3A_1 = arith.constant 0 : index
    %get3A_2 = vector.load %arg0[%get3A, %get3A_0, %get3A_1] : memref<2x3072x128xf32, #tpu.memory_space<vmem>>, vector<1x3000x128xf32>
    %get3A_3 = vector.shape_cast %get3A_2 : vector<1x3000x128xf32> to vector<3000x128xf32>
    %get3A_4 = arith.constant 1 : index
    %get3A_5 = arith.constant 0 : index
    %get3A_6 = arith.constant 0 : index
    %get3A_7 = vector.load %arg0[%get3A_4, %get3A_5, %get3A_6] : memref<2x3072x128xf32, #tpu.memory_space<vmem>>, vector<1x3000x128xf32>
    %get3A_8 = vector.shape_cast %get3A_7 : vector<1x3000x128xf32> to vector<3000x128xf32>
    %add3A = arith.addf %get3A_3, %get3A_8 : vector<3000x128xf32>
    %get3A_9 = arith.constant 0 : index
    %get3A_10 = arith.constant 0 : index
    %get3A_11 = vector.load %arg4[%get3A_9, %get3A_10] : memref<3000x128xf32, #tpu.memory_space<vmem>>, vector<3000x128xf32>
    %add3A_12 = arith.addf %add3A, %get3A_11 : vector<3000x128xf32>
    %get3A_13 = arith.constant 0 : index
    %get3A_14 = arith.constant 0 : index
    %get3A_15 = arith.constant 0 : index
    %get3A_16 = vector.load %arg1[%get3A_13, %get3A_14, %get3A_15] : memref<2x3072x128xf32, #tpu.memory_space<vmem>>, vector<1x3000x128xf32>
    %get3A_17 = vector.shape_cast %get3A_16 : vector<1x3000x128xf32> to vector<3000x128xf32>
    %get3A_18 = arith.constant 1 : index
    %get3A_19 = arith.constant 0 : index
    %get3A_20 = arith.constant 0 : index
    %get3A_21 = vector.load %arg1[%get3A_18, %get3A_19, %get3A_20] : memref<2x3072x128xf32, #tpu.memory_space<vmem>>, vector<1x3000x128xf32>
    %get3A_22 = vector.shape_cast %get3A_21 : vector<1x3000x128xf32> to vector<3000x128xf32>
    %add3A_23 = arith.addf %get3A_17, %get3A_22 : vector<3000x128xf32>
    %get3A_24 = arith.constant 0 : index
    %get3A_25 = arith.constant 0 : index
    %get3A_26 = vector.load %arg5[%get3A_24, %get3A_25] : memref<3000x128xf32, #tpu.memory_space<vmem>>, vector<3000x128xf32>
    %add3A_27 = arith.addf %add3A_23, %get3A_26 : vector<3000x128xf32>
    %get3A_28 = arith.constant 0 : index
    %get3A_29 = arith.constant 0 : index
    %get3A_30 = arith.constant 0 : index
    %get3A_31 = vector.load %arg2[%get3A_28, %get3A_29, %get3A_30] : memref<2x3072x128xf32, #tpu.memory_space<vmem>>, vector<1x3000x128xf32>
    %get3A_32 = vector.shape_cast %get3A_31 : vector<1x3000x128xf32> to vector<3000x128xf32>
    %get3A_33 = arith.constant 1 : index
    %get3A_34 = arith.constant 0 : index
    %get3A_35 = arith.constant 0 : index
    %get3A_36 = vector.load %arg2[%get3A_33, %get3A_34, %get3A_35] : memref<2x3072x128xf32, #tpu.memory_space<vmem>>, vector<1x3000x128xf32>
    %get3A_37 = vector.shape_cast %get3A_36 : vector<1x3000x128xf32> to vector<3000x128xf32>
    %add3A_38 = arith.addf %get3A_32, %get3A_37 : vector<3000x128xf32>
    %get3A_39 = arith.constant 0 : index
    %get3A_40 = arith.constant 0 : index
    %get3A_41 = vector.load %arg6[%get3A_39, %get3A_40] : memref<3000x128xf32, #tpu.memory_space<vmem>>, vector<3000x128xf32>
    %add3A_42 = arith.addf %add3A_38, %get3A_41 : vector<3000x128xf32>
    %get3A_43 = arith.constant 0 : index
    %get3A_44 = arith.constant 0 : index
    %get3A_45 = arith.constant 0 : index
    %get3A_46 = vector.load %arg3[%get3A_43, %get3A_44, %get3A_45] : memref<2x3072x128xf32, #tpu.memory_space<vmem>>, vector<1x3000x128xf32>
    %get3A_47 = vector.shape_cast %get3A_46 : vector<1x3000x128xf32> to vector<3000x128xf32>
    %get3A_48 = arith.constant 1 : index
    %get3A_49 = arith.constant 0 : index
    %get3A_50 = arith.constant 0 : index
    %get3A_51 = vector.load %arg3[%get3A_48, %get3A_49, %get3A_50] : memref<2x3072x128xf32, #tpu.memory_space<vmem>>, vector<1x3000x128xf32>
    %get3A_52 = vector.shape_cast %get3A_51 : vector<1x3000x128xf32> to vector<3000x128xf32>
    %add3A_53 = arith.addf %get3A_47, %get3A_52 : vector<3000x128xf32>
    %get3A_54 = arith.constant 0 : index
    %get3A_55 = arith.constant 0 : index
    %get3A_56 = vector.load %arg7[%get3A_54, %get3A_55] : memref<3000x128xf32, #tpu.memory_space<vmem>>, vector<3000x128xf32>
    %add3A_57 = arith.addf %add3A_53, %get3A_56 : vector<3000x128xf32>
    %get3A_58 = arith.constant 0 : index
    %get3A_59 = arith.constant 0 : index
    %get3A_60 = vector.load %arg8[%get3A_58, %get3A_59] : memref<3000x1xf32, #tpu.memory_space<vmem>>, vector<3000x1xf32>
    %concatenate3A = tpu.concatenate %add3A_12, %add3A_27, %add3A_42, %add3A_57 in 1 : vector<3000x128xf32>, vector<3000x128xf32>, vector<3000x128xf32>, vector<3000x128xf32> -> vector<3000x512xf32>
    %mul3A = vector.broadcast %get3A_60 : vector<3000x1xf32> to vector<3000x512xf32>
    %mul3A_61 = arith.mulf %mul3A, %concatenate3A : vector<3000x512xf32>
    %swap3A = arith.constant 0 : index
    %swap3A_62 = arith.constant 0 : index
    %swap3A_63 = vector.load %arg11[%swap3A, %swap3A_62] : memref<3000x512xf32, #tpu.memory_space<vmem>>, vector<3000x512xf32>
    tpu.vector_store %arg11[%swap3A, %swap3A_62], %mul3A_61 {strides = array<i32>} : memref<3000x512xf32, #tpu.memory_space<vmem>>, vector<3000x512xf32>,
    %max3A = arith.constant 0.000000e+00 : f32
    %max3A_64 = vector.broadcast %max3A : f32 to vector<3000x512xf32>
    %max3A_65 = arith.maximumf %mul3A_61, %max3A_64 : vector<3000x512xf32>
    %get3A_66 = arith.constant 0 : index
    %get3A_67 = arith.constant 0 : index
    %get3A_68 = vector.load %arg9[%get3A_66, %get3A_67] : memref<128x512xf32, #tpu.memory_space<vmem>>, vector<128x512xf32>
    %dot_general3A = arith.constant dense<0.000000e+00> : vector<3000x128xf32>
    %dot_general3A_69 = tpu.matmul %max3A_65, %get3A_68, %dot_general3A {dimension_numbers = #tpu.dot_dimension_numbers<[1], [1], [0], [0], [0, 0, 1, 0], [], []>, transpose_lhs_hint = false} : vector<3000x512xf32>, vector<128x512xf32>, vector<3000x128xf32> -> vector<3000x128xf32>
    %slice3A = vector.extract_strided_slice %dot_general3A_69 {offsets = [0, 0], sizes = [3000, 1], strides = [1, 1]} : vector<3000x128xf32> to vector<3000x1xf32>
    %get3A_70 = arith.constant 0 : index
    %get3A_71 = arith.constant 0 : index
    %get3A_72 = vector.load %arg10[%get3A_70, %get3A_71] : memref<1x1xf32, #tpu.memory_space<vmem>>, vector<1x1xf32>
    %get3A_73 = vector.extract %get3A_72[0, 0] : f32 from vector<1x1xf32>
    %add3A_74 = vector.broadcast %get3A_73 : f32 to vector<3000x1xf32>
    %add3A_75 = arith.addf %slice3A, %add3A_74 : vector<3000x1xf32>
    %swap3A_76 = arith.constant 0 : index
    %swap3A_77 = arith.constant 0 : index
    %swap3A_78 = vector.load %arg12[%swap3A_76, %swap3A_77] : memref<3000x1xf32, #tpu.memory_space<vmem>>, vector<3000x1xf32>
    tpu.vector_store %arg12[%swap3A_76, %swap3A_77], %add3A_75 {strides = array<i32>} : memref<3000x1xf32, #tpu.memory_space<vmem>>, vector<3000x1xf32>,
    return
  }
}

</mosaic_0001>

<sc_bundles>
// kernel: kernel.10.cloned.1.call-start
scs
__scs_entry_jumppad:
0x0: {  	(pc) =	sbr.rel $0x88, $3  }
0x1: {  	(tag) =	ssettag $0x0;
	lr =	simm.s32 $0x1  }
0x2: {  	[smem:$0x3F95] =	sst lr;
	_ =	strace $0xD0000000  }
0x3: {  	_ = 	snop  }
0x4: {  	_ = 	snop  }
0x5: {  	_ = 	snop  }
0x6: {  	_ = 	snop  }
0x7: {  	_ = 	snop  }
__scs_overlays_trampoline_lowered:
0x8: {  	[smem:$0x3FA4] =	sst s0  }
0x9: {  	[smem:$0x3FA5] =	sst s1  }
0xa: {  	[smem:$0x3FA6] =	sst s2  }
0xb: {  	[smem:$0x3FA7] =	sst s3  }
0xc: {  	[smem:$0x3FA8] =	sst s4  }
0xd: {  	[smem:$0x3FA9] =	sst s5  }
0xe: {  	[smem:$0x3FAA] =	sst s6  }
0xf: {  	[smem:$0x3FAB] =	sst s7  }
0x10: {  	[smem:$0x3FAC] =	sst s8  }
0x11: {  	[smem:$0x3FAD] =	sst s9;
	s0 =	simm.s32 @!p0 $0x0  }
0x12: {  	s1 =	sld [smem:$0x3F93];
	s0 =	simm.s32 @p0 $0x1  }
0x13: {  	[smem:$0x3FAE] =	sst s0;
	s0 =	simm.s32 @!p1 $0x0  }
0x14: {  	s2 =	sld [smem:$0x3F92];
	s0 =	simm.s32 @p1 $0x1  }
0x15: {  	[smem:$0x3FAF] =	sst s0;
	s0 =	simm.s32 @!p2 $0x0  }
0x16: {  	s3 =	sld [smem:$0x3FDB];
	s0 =	simm.s32 @p2 $0x1  }
0x17: {  	s4 =	simm.s32 $0x1BF5;
	[smem:$0x3FB1] =	sst s0  }
0x18: {  	s0 =	sld [smem:$0x3F94];
	_ =	swait.ge [sflag:s4], $0x0  }
0x19: {  	s7 =	sld [smem:$0x3F95]  }
0x1a: {  	s8 =	sadd.s32 $0xFFFFE003, lr  }
0x1b: {  	s9 =	sadd.s32 $0xFFFFFEF7, lr;
	s5 =	simm.s32 $0xFFFFFFFF;
	p2 =	slt.u32 s8, $0xFFFFF086  }
0x1c: {  	p1 =	slt.u32 s9, $0xF7A;
	s5 =	simm.s32 @!p2 $0x0  }
0x1d: {  	s5 =	simm.s32 @p1 $0x1;
	p0 =	seq.s32 s7, s2  }
0x1e: {  	s7 =	smul.u32 @!p0 $0xF7A, s2;
	p2 =	seq.s32 @!p0 s5, $0x0  }
0x1f: {  	s9 =	smul.u32 $0xF7A, s1;
	s8 =	simm.s32 @!p0 $0x1BF5;
	p2 =	por !p2, p0  }
0x20: {  	[sflag:s8] =	ssyncset.s32 @!p0 $0xFFFFF086;
	s6 =	sadd.s32 @!p0 s3, s7;
	s7 =	simm.s32 @!p0 $0x108  }
0x21: {  	s3 =	sadd.s32 s3, s9;
	s6 =	sadd.s32 @!p0 $0x88, s6;
	s7 =	simm.s32 @p2 $0x1082  }
0x22: {  	[simem:s7], [sflag:s8] =	dma.local @!p0 [hbm:s6], $0xF7A  }
0x23: {  	s9 =	sor.u32 $0xD0000000, s2;
	s6 =	simm.s32 $0x108;
	_ =	swait.ge @!p0 [sflag:s8], $0x0  }
0x24: {  	s3 =	sadd.s32 $0x88, s3;
	s6 =	simm.s32 @!p1 $0x1082;
	[sflag:s4] =	ssyncset.s32 $0xFFFFF086  }
0x25: {  	[simem:s6], [sflag:s4] =	dma.local [hbm:s3], $0xF7A  }
0x26: {  	[smem:$0x3F95] =	sst s1;
	(tag) =	ssettag s2;
	_ =	strace s9  }
0x27: {  	s1 =	sld [smem:$0x3FA5]  }
0x28: {  	s2 =	sld [smem:$0x3FA6]  }
0x29: {  	s4 =	sld [smem:$0x3FA8]  }
0x2a: {  	p0 =	seq.s32 s5, $0x0;
	s5 =	sld [smem:$0x3FA9]  }
0x2b: {  	s6 =	sld [smem:$0x3FAA]  }
0x2c: {  	s7 =	sld [smem:$0x3FAB]  }
0x2d: {  	s3 =	simm.s32 $0x108;
	s8 =	sld [smem:$0x3FAC]  }
0x2e: {  	s3 =	simm.s32 @!p0 $0x1082;
	s9 =	sld [smem:$0x3FAD]  }
0x2f: {  	lr =	sadd.s32 s0, s3;
	s0 =	sld [smem:$0x3FA4]  }
0x30: {  	s3 =	sld [smem:$0x3FA7]  }
0x31: {  	[smem:$0x3FB0] =	sst s10  }
0x32: {  	s10 =	sld [smem:$0x3FAE];
	_ =	sdelay $0x3  }
0x33: {  	p0 =	seq.s32 s10, $0x1;
	s10 =	sld [smem:$0x3FB0];
	_ =	sdelay $0x3  }
0x34: {  	[smem:$0x3FB0] =	sst s10  }
0x35: {  	s10 =	sld [smem:$0x3FAF];
	_ =	sdelay $0x3  }
0x36: {  	p1 =	seq.s32 s10, $0x1;
	s10 =	sld [smem:$0x3FB0];
	_ =	sdelay $0x3  }
0x37: {  	[smem:$0x3FB0] =	sst s10  }
0x38: {  	s10 =	sld [smem:$0x3FB1]  }
0x39: {  	_ = 	snop;
	(pc) =	sbr.ind lr, $3  }
0x3a: {  	_ = 	snop  }
0x3b: {  	_ = 	snop  }
0x3c: {  	p2 =	seq.s32 s10, $0x1;
	s10 =	sld [smem:$0x3FB0]  }
0x3d: {  	_ =	shalt  }
0x3e: {  	_ =	shalt  }
0x3f: {  	_ =	shalt  }
0x40: {  	_ =	shalt  }
0x41: {  	_ =	shalt  }
0x42: {  	_ =	shalt  }
0x43: {  	_ =	shalt  }
0x44: {  	_ =	shalt  }
0x45: {  	_ =	shalt  }
0x46: {  	_ =	shalt  }
0x47: {  	_ =	shalt  }
0x48: {  	_ =	shalt  }
0x49: {  	_ =	shalt  }
0x4a: {  	_ =	shalt  }
0x4b: {  	_ =	shalt  }
0x4c: {  	_ =	shalt  }
0x4d: {  	_ =	shalt  }
0x4e: {  	_ =	shalt  }
0x4f: {  	_ =	shalt  }
0x50: {  	_ =	shalt  }
0x51: {  	_ =	shalt  }
0x52: {  	_ =	shalt  }
0x53: {  	_ =	shalt  }
0x54: {  	_ =	shalt  }
0x55: {  	_ =	shalt  }
0x56: {  	_ =	shalt  }
0x57: {  	_ =	shalt  }
0x58: {  	_ =	shalt  }
0x59: {  	_ =	shalt  }
0x5a: {  	_ =	shalt  }
0x5b: {  	_ =	shalt  }
0x5c: {  	_ =	shalt  }
0x5d: {  	_ =	shalt  }
0x5e: {  	_ =	shalt  }
0x5f: {  	_ =	shalt  }
0x60: {  	_ =	shalt  }
0x61: {  	_ =	shalt  }
0x62: {  	_ =	shalt  }
0x63: {  	_ =	shalt  }
0x64: {  	_ =	shalt  }
0x65: {  	_ =	shalt  }
0x66: {  	_ =	shalt  }
0x67: {  	_ =	shalt  }
0x68: {  	_ =	shalt  }
0x69: {  	_ =	shalt  }
0x6a: {  	_ =	shalt  }
0x6b: {  	_ =	shalt  }
0x6c: {  	_ =	shalt  }
0x6d: {  	_ =	shalt  }
0x6e: {  	_ =	shalt  }
0x6f: {  	_ =	shalt  }
0x70: {  	_ =	shalt  }
0x71: {  	_ =	shalt  }
0x72: {  	_ =	shalt  }
0x73: {  	_ =	shalt  }
0x74: {  	_ =	shalt  }
0x75: {  	_ =	shalt  }
0x76: {  	_ =	shalt  }
0x77: {  	_ =	shalt  }
0x78: {  	_ =	shalt  }
0x79: {  	_ =	shalt  }
0x7a: {  	_ =	shalt  }
0x7b: {  	_ =	shalt  }
0x7c: {  	_ =	shalt  }
0x7d: {  	_ =	shalt  }
0x7e: {  	_ =	shalt  }
0x7f: {  	_ =	shalt  }
0x80: {  	_ =	shalt  }
0x81: {  	_ =	shalt  }
0x82: {  	_ =	shalt  }
0x83: {  	_ =	shalt  }
0x84: {  	_ =	shalt  }
0x85: {  	_ =	shalt  }
0x86: {  	_ =	shalt  }
0x87: {  	_ =	shalt  }
.Lfunc_end0:
.L_simem_size_0:
called_computation.1_lowered:
.L_overlay_start_0:
0x88: {  	s2 =	sld [smem:$0x3FD9]  }
0x89: {  	s3 =	sld [smem:$0x3FFE];
	_ =	sdelay $0x1  }
0x8a: {  	s1 =	srdreg.scid  }
0x8b: {  	s0 =	sand.u32 $0x1, s1  }
0x8c: {  	s14 =	sshll.u32 s0, $0xA;
	s2 =	sadd.s32 s3, s2  }
0x8d: {  	s2 =	sadd.s32 s2, s14  }
0x8e: {  	[smem:$0x3FBC] =	sst s2  }
0x8f: {  	_ = 	snop  }
0x90: {  	s2 =	sld [smem:$0x3FD0];
	_ =	sdelay $0x2  }
0x91: {  	s15 =	simm.s32 $0xA;
	s4 =	simm.s32 $0x10  }
0x92: {  	[smem:s4], [sflag:s15] =	dma.local [hbm:s2], $0x1  }
0x93: {  	_ =	swait.eq [sflag:s15], $0x1  }
0x94: {  	[sflag:s15] =	ssyncset.done $0x0  }
0x95: {  	[sflag:s15] =	ssyncadd.s32 $0xFFFFFFFF  }
0x96: {  	s16 =	sld [smem:$0x11];
	(tm) =	ssettm $0x1  }
0x97: {  	s17 =	sld [smem:$0x3FFB];
	_ =	sdelay $0x3  }
0x98: {  	_ =	strace s17  }
0x99: {  	s3 =	sld [smem:$0x3FFC];
	_ =	sdelay $0x3  }
0x9a: {  	_ =	strace s3  }
0x9b: {  	s3 =	sld [smem:$0x3FFD];
	_ =	sdelay $0x3  }
0x9c: {  	_ =	strace s3  }
0x9d: {  	_ =	strace $0x8FFFFFFF  }
0x9e: {  	s18 =	sld [smem:$0x3FDB];
	_ =	sdelay $0x1  }
0x9f: {  	s19 =	simm.s32 $_scs_section_size  }
0xa0: {  	s5 =	simm.s32 $_size__tile_overlayer_lowered;
	s6 =	simm.s32 $_tile_overlayer_lowered  }
0xa1: {  	s22 =	simm.s32 $0x1BFF;
	s21 =	sshll.u32 s6, $0x1;
	s3 =	sadd.s32 s19, s18  }
0xa2: {  	s7 =	simm.s32 $0x0;
	s20 =	sshll.u32 s5, $0x1;
	s5 =	sadd.s32 s21, s3  }
0xa3: {  	[timem:s7], [sflag:s22] =	dma.local [hbm:s5], s20  }
0xa4: {  	_ =	swait.ge [sflag:s22], s20  }
0xa5: {  	s4 =	ssub.s32 $0x0, s20;
	[sflag:s22] =	ssyncset.done $0x0  }
0xa6: {  	[sflag:s22] =	ssyncadd.s32 s4;
	_ =	sdelay $0x1  }
0xa7: {  	s23 =	simm.s32 $0x1B8B  }
0xa8: {  	_ =	swait.ge [sflag:s23], $0x1  }
0xa9: {  	[sflag:s23] =	ssyncset.done $0x0  }
0xaa: {  	s25 =	simm.s32 $0x1B8E;
	s24 =	sld [smem:$0x3FFE];
	[sflag:s23] =	ssyncadd.s32 $0xFFFFFFFF  }
0xab: {  	s26 =	simm.s32 $execute0_lowered;
	[smem:$0x3FD2] =	sst s25  }
0xac: {  	s5 =	sshll.u32 s26, $0x1;
	_ =	strace $0x80000049;
	[dreg:$0x1] =	wrdreg $0xFFFFFFFF  }
0xad: {  	s28 =	simm.s32 $_size_execute0_lowered;
	s3 =	sadd.s32 s3, s5;
	[dreg:$0x0] =	wrdreg $0x0  }
0xae: {  	s5 =	sshll.u32 s28, $0x1;
	[dreg:$0x2] =	wrdreg s3  }
0xaf: {  	[dreg:$0x3] =	wrdreg s5  }
0xb0: {  	[dreg:$0x4] =	wrdreg $0xC0  }
0xb1: {  	_ =	task [dreg:s7], $0x5FFFF  }
0xb2: {  	[dreg:$0x1] =	wrdreg $0xFFFFFFFF  }
0xb3: {  	[dreg:$0x0] =	wrdreg $0x60  }
0xb4: {  	[dreg:$0x2] =	wrdreg s24  }
0xb5: {  	[dreg:$0x3] =	wrdreg s16  }
0xb6: {  	[dreg:$0x4] =	wrdreg $0x98000  }
0xb7: {  	[dreg:$0x5] =	wrdreg $0x9  }
0xb8: {  	_ =	task.clear_ibuf [dreg:s7], $0x6FFFF;
	_ =	strace $0x90000049  }
0xb9: {  	s29 =	simm.s32 $0x9;
	_ =	strace $0x8000004B  }
0xba: {  	_ =	swait.ge [sflag:s29], $0x1  }
0xbb: {  	[sflag:s29] =	ssyncadd.s32 $0xFFFFFFFF  }
0xbc: {  	_ =	strace $0x9000004B  }
0xbd: {  	_ =	sfence  }
0xbe: {  	s30 =	sld [smem:$0x0];
	_ =	sdelay $0x2  }
0xbf: {  	s31 =	sshll.u32 s1, $0xD;
	s1 =	sshrl.u32 s1, $0x2  }
0xc0: {  	s3 =	sand.u32 $0x4000, s31;
	s1 =	sadd.s32 s1, s30  }
0xc1: {  	s0 =	sor.u32 s3, s0;
	s1 =	sshll.u32 s1, $0x11  }
0xc2: {  	s0 =	sor.u32 s1, s0  }
0xc3: {  	s0 =	sadd.s32 $0x8F2B, s0  }
0xc4: {  	[sflag:s0] =	ssyncadd.remote.s32 $0x1  }
0xc5: {  	_ =	sfence.sel $0xFFFF  }
0xc6: {  	[dreg:$0x0] =	wrdreg $0xFFFFFFFF;
	(pc) =	sbr.abs _section_cstart, $3  }
0xc7: {  	[dreg:$0x1] =	wrdreg $0xFFFFFFFF  }
0xc8: {  	_ =	task.clear_ibuf [dreg:s7], $0x2FFFF;
	_ =	strace $0x9FFFFFFF  }
0xc9: {  	(tm) =	ssettm $0x7FFFFFFF  }
tec
execute0_lowered:
.L_overlay_start_1:
0x0: {  	(tag) =	ssettag $0x1  }
0x1: {  	s8 =	rddreg [dreg:$0x0]  }
0x2: {  	s11 =	rddreg [dreg:$0x1];
	s1 =	srdreg.scid  }
0x3: {  	s0 =	stileid.u32;
	s2 =	rddreg [dreg:$0x2];
	s3 =	simm.s32 $0x0  }
0x4: {  	s20 =	simm.s32 $0x80;
	s21 =	simm.s32 $0x1800;
	s22 =	simm.s32 $0x5800  }
0x5: {  	s23 =	simm.s32 $0x1;
	s24 =	simm.s32 $0x2;
	s25 =	simm.s32 $0xB80  }
0x6: {  	s26 =	simm.s32 $0x1700;
	s28 =	simm.s32 $0x1780;
	s29 =	simm.s32 $0x0  }
0x7: {  	s9 =	sand.u32 $0x1, s1;
	s4 =	sshll.u32 s0, $0x1;
	[smem:$0x7FF] =	sst s3  }
0x8: {  	s10 =	smul.u32 $0x6000, s0;
	s5 =	sadd.s32 $0x1FA00, s8;
	s6 =	sadd.s32 $0x2B600, s8  }
0x9: {  	s7 =	sadd.s32 $0x37200, s8;
	s15 =	smul.u32 $0x18000, s0;
	s18 =	sshll.u32 s0, $0x6  }
0xa: {  	s4 =	sor.u32 s9, s4;
	_ =	strace $0x8000004A;
	s13 =	smul.u32 $0x60000, s9  }
0xb: {  	s9 =	ssub.s32 $0x2, s9;
	s18 =	sor.u32 $0x1C03, s18;
	s4 =	smul.u32 $0x180, s4  }
0xc: {  	s14 =	sshrl.u32 s10, $0x3;
	s30 =	sshrl.u32 s9, $0x1;
	s31 =	sshrl.u32 s15, $0x2  }
0xd: {  	s10 =	sadd.s32 s10, s13;
	s14 =	sadd.s32 s14, s8;
	s17 =	ssub.s32 s9, s30  }
0xe: {  	s19 =	sadd.s32 s31, s2;
	s12 =	sadd.s32 s4, s8;
	s4 =	sadd.s32 $0x13E00, s8  }
0xf: {  	s13 =	sshrl.u32 s10, $0x3;
	s10 =	sadd.s32 $0x7E00, s14;
	s15 =	smax.u32 s17, $0x1  }
0x10: {  	s19 =	sshrl.u32 s19, $0x3;
	s16 =	sadd.s32 s13, s8;
	s8 =	sadd.s32 $0x4600, s12  }
0x11: {  	s9 =	sadd.s32 $0x1600, s12;
	s11 =	sadd.s32 s11, s13;
	s12 =	sadd.s32 $0x42E00, s16  }
0x12: {  	s13 =	sadd.s32 $0x5AE00, s16;
	s14 =	sadd.s32 $0x72E00, s16;
	s16 =	simm.s32 $0x3  }
.LBB2_1:
0x13: {  	[tilespmem:s3], [sflag:$0x3] =	stream.linear.gather [hbm4b:s8+s3], $0xC00, $0x38;
	[tilespmem:$0xF800] =	vst v63  }
0x14: {  	_ =	swait.ge [sflag:s16], $0xC00  }
0x15: {  	[sflag:s16] =	ssyncset.done $0x0  }
0x16: {  	s0 =	simm.s32 $0xC00;
	[sflag:s16] =	ssyncadd.s32 $0xFFFFF400  }
0x17: {  	[tilespmem:s0], [sflag:$0x3] =	stream.linear.gather [hbm4b:s9+s3], $0xC00, $0x38;
	[tilespmem:$0xF800] =	vst v63  }
0x18: {  	_ =	swait.ge [sflag:s16], $0xC00  }
0x19: {  	[sflag:s16] =	ssyncset.done $0x0  }
0x1a: {  	[sflag:s16] =	ssyncadd.s32 $0xFFFFF400  }
0x1b: {  	[spmem:s19], [sflag:s18] =	dma.local [hbm:s10], $0xC00  }
0x1c: {  	_ =	swait.ge [sflag:s16], $0xC00  }
0x1d: {  	[sflag:s16] =	ssyncset.done $0x0  }
0x1e: {  	[sflag:s16] =	ssyncadd.s32 $0xFFFFF400  }
0x1f: {  	[bflag:$0x0] =	sbarrier.arrive $0xFFFF  }
0x20: {  	[tilespmem:s21], [sflag:$0x1] =	stream.indirect.gather [hbm4b:s4+s20], $0x80, s3, s20, $0xb8;
	[tilespmem:$0xF800] =	vst v63  }
0x21: {  	s30 =	simm.s32 $0x80  }
0x22: {  	[tilespmem:s22], [sflag:$0x2] =	stream.indirect.gather [hbm4b:s4+s20], $0x80, s30, s20, $0xb8;
	[tilespmem:$0xF800] =	vst v63  }
0x23: {  	_ =	swait.ge [sflag:s23], $0x4000  }
0x24: {  	[sflag:s23] =	ssyncset.done $0x0  }
0x25: {  	s30 =	simm.s32 $0xC00;
	[sflag:s23] =	ssyncadd.s32 $0xFFFFC000  }
0x26: {  	[spmem:s2] =	stream.indirect.scatter.add.f32 [tilespmem:s21], [sflag:$0x3], $0x80, s30, s20, $0xb8;
	[tilespmem:$0xF800] =	vst v63  }
0x27: {  	_ =	swait.ge [sflag:s16], $0x4000  }
0x28: {  	[sflag:s16] =	ssyncset.done $0x0  }
0x29: {  	s30 =	simm.s32 $0x100;
	[sflag:s16] =	ssyncadd.s32 $0xFFFFC000  }
0x2a: {  	[tilespmem:s21], [sflag:$0x1] =	stream.indirect.gather [hbm4b:s4+s20], $0x80, s30, s20, $0xb8;
	[tilespmem:$0xF800] =	vst v63  }
0x2b: {  	_ =	swait.ge [sflag:s24], $0x4000  }
0x2c: {  	[sflag:s24] =	ssyncset.done $0x0  }
0x2d: {  	s30 =	simm.s32 $0xC80;
	[sflag:s24] =	ssyncadd.s32 $0xFFFFC000  }
0x2e: {  	[spmem:s2] =	stream.indirect.scatter.add.f32 [tilespmem:s22], [sflag:$0x3], $0x80, s30, s20, $0xb8;
	[tilespmem:$0xF800] =	vst v63  }
0x2f: {  	_ =	swait.ge [sflag:s16], $0x4000  }
0x30: {  	s31 =	simm.s32 $0x800;
	s30 =	simm.s32 $0x100;
	[sflag:s16] =	ssyncset.done $0x0  }
.LBB2_2:
0x31: {  	s1 =	sadd.s32 $0x80, s30  }
0x32: {  	[sflag:s16] =	ssyncadd.s32 $0xFFFFC000;
	s0 =	smov.u32 s31;
	s17 =	sadd.s32 $0x400, s31  }
0x33: {  	[tilespmem:s22], [sflag:$0x2] =	stream.indirect.gather [hbm4b:s4+s20], $0x80, s1, s20, $0xb8;
	[tilespmem:$0xF800] =	vst v63  }
0x34: {  	p0 =	sne.s32 s31, $0x2800;
	_ =	swait.ge [sflag:s23], $0x4000  }
0x35: {  	[sflag:s23] =	ssyncset.done $0x0  }
0x36: {  	s1 =	sadd.s32 $0xC00, s30;
	[sflag:s23] =	ssyncadd.s32 $0xFFFFC000  }
0x37: {  	[spmem:s2] =	stream.indirect.scatter.add.f32 [tilespmem:s21], [sflag:$0x3], $0x80, s1, s20, $0xb8;
	[tilespmem:$0xF800] =	vst v63  }
0x38: {  	_ =	swait.ge [sflag:s16], $0x4000  }
0x39: {  	[sflag:s16] =	ssyncset.done $0x0  }
0x3a: {  	s1 =	sadd.s32 $0x100, s30;
	[sflag:s16] =	ssyncadd.s32 $0xFFFFC000  }
0x3b: {  	[tilespmem:s21], [sflag:$0x1] =	stream.indirect.gather [hbm4b:s4+s20], $0x80, s1, s20, $0xb8;
	[tilespmem:$0xF800] =	vst v63  }
0x3c: {  	_ =	swait.ge [sflag:s24], $0x4000  }
.Ltmp0:
0x3d: {  	[sflag:s24] =	ssyncset.done $0x0;
	(pc) =	sbr.rel @p0 .LBB2_2-.Ltmp0, $4  }
0x3e: {  	s1 =	sadd.s32 $0xC80, s30;
	[sflag:s24] =	ssyncadd.s32 $0xFFFFC000  }
0x3f: {  	[spmem:s2] =	stream.indirect.scatter.add.f32 [tilespmem:s22], [sflag:$0x3], $0x80, s1, s20, $0xb8;
	[tilespmem:$0xF800] =	vst v63  }
0x40: {  	_ =	swait.ge [sflag:s16], $0x4000  }
0x41: {  	s31 =	smov.u32 s17;
	s30 =	sshra.s32 s0, $0x2;
	[sflag:s16] =	ssyncset.done $0x0  }
0x42: {  	s0 =	sadd.s32 $0x80, s30;
	[sflag:s16] =	ssyncadd.s32 $0xFFFFC000  }
0x43: {  	[tilespmem:s22], [sflag:$0x2] =	stream.indirect.gather [hbm4b:s4+s20], $0x80, s0, s20, $0xb8;
	[tilespmem:$0xF800] =	vst v63  }
0x44: {  	_ =	swait.ge [sflag:s23], $0x4000  }
0x45: {  	[sflag:s23] =	ssyncset.done $0x0  }
0x46: {  	s1 =	sadd.s32 $0xC00, s30;
	[sflag:s23] =	ssyncadd.s32 $0xFFFFC000  }
0x47: {  	[spmem:s2] =	stream.indirect.scatter.add.f32 [tilespmem:s21], [sflag:$0x3], $0x80, s1, s20, $0xb8;
	[tilespmem:$0xF800] =	vst v63  }
0x48: {  	_ =	swait.ge [sflag:s16], $0x4000  }
0x49: {  	[sflag:s16] =	ssyncset.done $0x0  }
0x4a: {  	s17 =	sadd.s32 $0x100, s30;
	[sflag:s16] =	ssyncadd.s32 $0xFFFFC000  }
0x4b: {  	[tilespmem:s21], [sflag:$0x1] =	stream.indirect.gather [hbm4b:s4+s20], $0x80, s17, s20, $0xb8;
	[tilespmem:$0xF800] =	vst v63  }
0x4c: {  	_ =	swait.ge [sflag:s24], $0x4000  }
0x4d: {  	[sflag:s24] =	ssyncset.done $0x0  }
0x4e: {  	s1 =	sadd.s32 $0xC80, s30;
	[sflag:s24] =	ssyncadd.s32 $0xFFFFC000  }
0x4f: {  	[spmem:s2] =	stream.indirect.scatter.add.f32 [tilespmem:s22], [sflag:$0x3], $0x80, s1, s20, $0xb8;
	[tilespmem:$0xF800] =	vst v63  }
0x50: {  	_ =	swait.ge [sflag:s16], $0x4000  }
0x51: {  	[sflag:s16] =	ssyncset.done $0x0  }
0x52: {  	[sflag:s16] =	ssyncadd.s32 $0xFFFFC000  }
0x53: {  	[tilespmem:s22], [sflag:$0x2] =	stream.indirect.gather [hbm4b:s4+s20], $0x80, s25, s20, $0xb8;
	[tilespmem:$0xF800] =	vst v63  }
0x54: {  	_ =	swait.ge [sflag:s23], $0x4000  }
0x55: {  	[sflag:s23] =	ssyncset.done $0x0  }
0x56: {  	[sflag:s23] =	ssyncadd.s32 $0xFFFFC000  }
0x57: {  	[spmem:s2] =	stream.indirect.scatter.add.f32 [tilespmem:s21], [sflag:$0x3], $0x80, s26, s20, $0xb8;
	[tilespmem:$0xF800] =	vst v63  }
0x58: {  	_ =	swait.ge [sflag:s16], $0x4000  }
0x59: {  	[sflag:s16] =	ssyncset.done $0x0  }
0x5a: {  	[sflag:s16] =	ssyncadd.s32 $0xFFFFC000  }
0x5b: {  	_ =	swait.ge [sflag:s24], $0x4000  }
0x5c: {  	[sflag:s24] =	ssyncset.done $0x0  }
0x5d: {  	[sflag:s24] =	ssyncadd.s32 $0xFFFFC000  }
0x5e: {  	[spmem:s2] =	stream.indirect.scatter.add.f32 [tilespmem:s22], [sflag:$0x3], $0x80, s28, s20, $0xb8;
	[tilespmem:$0xF800] =	vst v63  }
0x5f: {  	_ =	swait.ge [sflag:s16], $0x4000  }
0x60: {  	[sflag:s16] =	ssyncset.done $0x0  }
0x61: {  	[sflag:s16] =	ssyncadd.s32 $0xFFFFC000  }
0x62: {  	[bflag:$0x0] =	sbarrier.arrive $0xFFFF  }
0x63: {  	[hbm:s11], [sflag:s18] =	dma.local [spmem:s19], $0xC00  }
0x64: {  	_ =	swait.ge [sflag:s16], $0xC00  }
0x65: {  	[sflag:s16] =	ssyncset.done $0x0  }
0x66: {  	[sflag:s16] =	ssyncadd.s32 $0xFFFFF400  }
0x67: {  	[spmem:s19], [sflag:s18] =	dma.local [hbm:s10], $0xC00  }
0x68: {  	_ =	swait.ge [sflag:s16], $0xC00  }
0x69: {  	[sflag:s16] =	ssyncset.done $0x0  }
0x6a: {  	[sflag:s16] =	ssyncadd.s32 $0xFFFFF400  }
0x6b: {  	s17 =	simm.s32 $0x0;
	[bflag:$0x0] =	sbarrier.arrive $0xFFFF  }
0x6c: {  	[tilespmem:s21], [sflag:$0x1] =	stream.indirect.gather [hbm4b:s5+s20], $0x80, s17, s20, $0xb8;
	[tilespmem:$0xF800] =	vst v63  }
0x6d: {  	s1 =	simm.s32 $0x80  }
0x6e: {  	[tilespmem:s22], [sflag:$0x2] =	stream.indirect.gather [hbm4b:s5+s20], $0x80, s1, s20, $0xb8;
	[tilespmem:$0xF800] =	vst v63  }
0x6f: {  	_ =	swait.ge [sflag:s23], $0x4000  }
0x70: {  	[sflag:s23] =	ssyncset.done $0x0  }
0x71: {  	s17 =	simm.s32 $0xC00;
	[sflag:s23] =	ssyncadd.s32 $0xFFFFC000  }
0x72: {  	[spmem:s2] =	stream.indirect.scatter.add.f32 [tilespmem:s21], [sflag:$0x3], $0x80, s17, s20, $0xb8;
	[tilespmem:$0xF800] =	vst v63  }
0x73: {  	_ =	swait.ge [sflag:s16], $0x4000  }
0x74: {  	[sflag:s16] =	ssyncset.done $0x0  }
0x75: {  	s1 =	simm.s32 $0x100;
	[sflag:s16] =	ssyncadd.s32 $0xFFFFC000  }
0x76: {  	[tilespmem:s21], [sflag:$0x1] =	stream.indirect.gather [hbm4b:s5+s20], $0x80, s1, s20, $0xb8;
	[tilespmem:$0xF800] =	vst v63  }
0x77: {  	_ =	swait.ge [sflag:s24], $0x4000  }
0x78: {  	[sflag:s24] =	ssyncset.done $0x0  }
0x79: {  	s17 =	simm.s32 $0xC80;
	[sflag:s24] =	ssyncadd.s32 $0xFFFFC000  }
0x7a: {  	[spmem:s2] =	stream.indirect.scatter.add.f32 [tilespmem:s22], [sflag:$0x3], $0x80, s17, s20, $0xb8;
	[tilespmem:$0xF800] =	vst v63  }
0x7b: {  	_ =	swait.ge [sflag:s16], $0x4000  }
0x7c: {  	s31 =	simm.s32 $0x800;
	s30 =	simm.s32 $0x100;
	[sflag:s16] =	ssyncset.done $0x0  }
.LBB2_4:
0x7d: {  	s0 =	sadd.s32 $0x80, s30  }
0x7e: {  	[sflag:s16] =	ssyncadd.s32 $0xFFFFC000;
	s1 =	smov.u32 s31;
	s17 =	sadd.s32 $0x400, s31  }
0x7f: {  	[tilespmem:s22], [sflag:$0x2] =	stream.indirect.gather [hbm4b:s5+s20], $0x80, s0, s20, $0xb8;
	[tilespmem:$0xF800] =	vst v63  }
0x80: {  	p0 =	sne.s32 s31, $0x2800;
	_ =	swait.ge [sflag:s23], $0x4000  }
0x81: {  	[sflag:s23] =	ssyncset.done $0x0  }
0x82: {  	s0 =	sadd.s32 $0xC00, s30;
	[sflag:s23] =	ssyncadd.s32 $0xFFFFC000  }
0x83: {  	[spmem:s2] =	stream.indirect.scatter.add.f32 [tilespmem:s21], [sflag:$0x3], $0x80, s0, s20, $0xb8;
	[tilespmem:$0xF800] =	vst v63  }
0x84: {  	_ =	swait.ge [sflag:s16], $0x4000  }
0x85: {  	[sflag:s16] =	ssyncset.done $0x0  }
0x86: {  	s0 =	sadd.s32 $0x100, s30;
	[sflag:s16] =	ssyncadd.s32 $0xFFFFC000  }
0x87: {  	[tilespmem:s21], [sflag:$0x1] =	stream.indirect.gather [hbm4b:s5+s20], $0x80, s0, s20, $0xb8;
	[tilespmem:$0xF800] =	vst v63  }
0x88: {  	_ =	swait.ge [sflag:s24], $0x4000  }
.Ltmp1:
0x89: {  	[sflag:s24] =	ssyncset.done $0x0;
	(pc) =	sbr.rel @p0 .LBB2_4-.Ltmp1, $4  }
0x8a: {  	s0 =	sadd.s32 $0xC80, s30;
	[sflag:s24] =	ssyncadd.s32 $0xFFFFC000  }
0x8b: {  	[spmem:s2] =	stream.indirect.scatter.add.f32 [tilespmem:s22], [sflag:$0x3], $0x80, s0, s20, $0xb8;
	[tilespmem:$0xF800] =	vst v63  }
0x8c: {  	_ =	swait.ge [sflag:s16], $0x4000  }
0x8d: {  	s31 =	smov.u32 s17;
	s30 =	sshra.s32 s1, $0x2;
	[sflag:s16] =	ssyncset.done $0x0  }
0x8e: {  	s0 =	sadd.s32 $0x80, s30;
	[sflag:s16] =	ssyncadd.s32 $0xFFFFC000  }
0x8f: {  	[tilespmem:s22], [sflag:$0x2] =	stream.indirect.gather [hbm4b:s5+s20], $0x80, s0, s20, $0xb8;
	[tilespmem:$0xF800] =	vst v63  }
0x90: {  	_ =	swait.ge [sflag:s23], $0x4000  }
0x91: {  	[sflag:s23] =	ssyncset.done $0x0  }
0x92: {  	s1 =	sadd.s32 $0xC00, s30;
	[sflag:s23] =	ssyncadd.s32 $0xFFFFC000  }
0x93: {  	[spmem:s2] =	stream.indirect.scatter.add.f32 [tilespmem:s21], [sflag:$0x3], $0x80, s1, s20, $0xb8;
	[tilespmem:$0xF800] =	vst v63  }
0x94: {  	_ =	swait.ge [sflag:s16], $0x4000  }
0x95: {  	[sflag:s16] =	ssyncset.done $0x0  }
0x96: {  	s17 =	sadd.s32 $0x100, s30;
	[sflag:s16] =	ssyncadd.s32 $0xFFFFC000  }
0x97: {  	[tilespmem:s21], [sflag:$0x1] =	stream.indirect.gather [hbm4b:s5+s20], $0x80, s17, s20, $0xb8;
	[tilespmem:$0xF800] =	vst v63  }
0x98: {  	_ =	swait.ge [sflag:s24], $0x4000  }
0x99: {  	[sflag:s24] =	ssyncset.done $0x0  }
0x9a: {  	s1 =	sadd.s32 $0xC80, s30;
	[sflag:s24] =	ssyncadd.s32 $0xFFFFC000  }
0x9b: {  	[spmem:s2] =	stream.indirect.scatter.add.f32 [tilespmem:s22], [sflag:$0x3], $0x80, s1, s20, $0xb8;
	[tilespmem:$0xF800] =	vst v63  }
0x9c: {  	_ =	swait.ge [sflag:s16], $0x4000  }
0x9d: {  	[sflag:s16] =	ssyncset.done $0x0  }
0x9e: {  	[sflag:s16] =	ssyncadd.s32 $0xFFFFC000  }
0x9f: {  	[tilespmem:s22], [sflag:$0x2] =	stream.indirect.gather [hbm4b:s5+s20], $0x80, s25, s20, $0xb8;
	[tilespmem:$0xF800] =	vst v63  }
0xa0: {  	_ =	swait.ge [sflag:s23], $0x4000  }
0xa1: {  	[sflag:s23] =	ssyncset.done $0x0  }
0xa2: {  	[sflag:s23] =	ssyncadd.s32 $0xFFFFC000  }
0xa3: {  	[spmem:s2] =	stream.indirect.scatter.add.f32 [tilespmem:s21], [sflag:$0x3], $0x80, s26, s20, $0xb8;
	[tilespmem:$0xF800] =	vst v63  }
0xa4: {  	_ =	swait.ge [sflag:s16], $0x4000  }
0xa5: {  	[sflag:s16] =	ssyncset.done $0x0  }
0xa6: {  	[sflag:s16] =	ssyncadd.s32 $0xFFFFC000  }
0xa7: {  	_ =	swait.ge [sflag:s24], $0x4000  }
0xa8: {  	[sflag:s24] =	ssyncset.done $0x0  }
0xa9: {  	[sflag:s24] =	ssyncadd.s32 $0xFFFFC000  }
0xaa: {  	[spmem:s2] =	stream.indirect.scatter.add.f32 [tilespmem:s22], [sflag:$0x3], $0x80, s28, s20, $0xb8;
	[tilespmem:$0xF800] =	vst v63  }
0xab: {  	_ =	swait.ge [sflag:s16], $0x4000  }
0xac: {  	[sflag:s16] =	ssyncset.done $0x0  }
0xad: {  	[sflag:s16] =	ssyncadd.s32 $0xFFFFC000  }
0xae: {  	[bflag:$0x0] =	sbarrier.arrive $0xFFFF  }
0xaf: {  	[hbm:s12], [sflag:s18] =	dma.local [spmem:s19], $0xC00  }
0xb0: {  	_ =	swait.ge [sflag:s16], $0xC00  }
0xb1: {  	[sflag:s16] =	ssyncset.done $0x0  }
0xb2: {  	[sflag:s16] =	ssyncadd.s32 $0xFFFFF400  }
0xb3: {  	[spmem:s19], [sflag:s18] =	dma.local [hbm:s10], $0xC00  }
0xb4: {  	_ =	swait.ge [sflag:s16], $0xC00  }
0xb5: {  	[sflag:s16] =	ssyncset.done $0x0  }
0xb6: {  	[sflag:s16] =	ssyncadd.s32 $0xFFFFF400  }
0xb7: {  	s17 =	simm.s32 $0x0;
	[bflag:$0x0] =	sbarrier.arrive $0xFFFF  }
0xb8: {  	[tilespmem:s21], [sflag:$0x1] =	stream.indirect.gather [hbm4b:s6+s20], $0x80, s17, s20, $0xb8;
	[tilespmem:$0xF800] =	vst v63  }
0xb9: {  	s1 =	simm.s32 $0x80  }
0xba: {  	[tilespmem:s22], [sflag:$0x2] =	stream.indirect.gather [hbm4b:s6+s20], $0x80, s1, s20, $0xb8;
	[tilespmem:$0xF800] =	vst v63  }
0xbb: {  	_ =	swait.ge [sflag:s23], $0x4000  }
0xbc: {  	[sflag:s23] =	ssyncset.done $0x0  }
0xbd: {  	s17 =	simm.s32 $0xC00;
	[sflag:s23] =	ssyncadd.s32 $0xFFFFC000  }
0xbe: {  	[spmem:s2] =	stream.indirect.scatter.add.f32 [tilespmem:s21], [sflag:$0x3], $0x80, s17, s20, $0xb8;
	[tilespmem:$0xF800] =	vst v63  }
0xbf: {  	_ =	swait.ge [sflag:s16], $0x4000  }
0xc0: {  	[sflag:s16] =	ssyncset.done $0x0  }
0xc1: {  	s1 =	simm.s32 $0x100;
	[sflag:s16] =	ssyncadd.s32 $0xFFFFC000  }
0xc2: {  	[tilespmem:s21], [sflag:$0x1] =	stream.indirect.gather [hbm4b:s6+s20], $0x80, s1, s20, $0xb8;
	[tilespmem:$0xF800] =	vst v63  }
0xc3: {  	_ =	swait.ge [sflag:s24], $0x4000  }
0xc4: {  	[sflag:s24] =	ssyncset.done $0x0  }
0xc5: {  	s17 =	simm.s32 $0xC80;
	[sflag:s24] =	ssyncadd.s32 $0xFFFFC000  }
0xc6: {  	[spmem:s2] =	stream.indirect.scatter.add.f32 [tilespmem:s22], [sflag:$0x3], $0x80, s17, s20, $0xb8;
	[tilespmem:$0xF800] =	vst v63  }
0xc7: {  	_ =	swait.ge [sflag:s16], $0x4000  }
0xc8: {  	s31 =	simm.s32 $0x800;
	s30 =	simm.s32 $0x100;
	[sflag:s16] =	ssyncset.done $0x0  }
.LBB2_6:
0xc9: {  	s0 =	sadd.s32 $0x80, s30  }
0xca: {  	[sflag:s16] =	ssyncadd.s32 $0xFFFFC000;
	s1 =	smov.u32 s31;
	s17 =	sadd.s32 $0x400, s31  }
0xcb: {  	[tilespmem:s22], [sflag:$0x2] =	stream.indirect.gather [hbm4b:s6+s20], $0x80, s0, s20, $0xb8;
	[tilespmem:$0xF800] =	vst v63  }
0xcc: {  	p0 =	sne.s32 s31, $0x2800;
	_ =	swait.ge [sflag:s23], $0x4000  }
0xcd: {  	[sflag:s23] =	ssyncset.done $0x0  }
0xce: {  	s0 =	sadd.s32 $0xC00, s30;
	[sflag:s23] =	ssyncadd.s32 $0xFFFFC000  }
0xcf: {  	[spmem:s2] =	stream.indirect.scatter.add.f32 [tilespmem:s21], [sflag:$0x3], $0x80, s0, s20, $0xb8;
	[tilespmem:$0xF800] =	vst v63  }
0xd0: {  	_ =	swait.ge [sflag:s16], $0x4000  }
0xd1: {  	[sflag:s16] =	ssyncset.done $0x0  }
0xd2: {  	s0 =	sadd.s32 $0x100, s30;
	[sflag:s16] =	ssyncadd.s32 $0xFFFFC000  }
0xd3: {  	[tilespmem:s21], [sflag:$0x1] =	stream.indirect.gather [hbm4b:s6+s20], $0x80, s0, s20, $0xb8;
	[tilespmem:$0xF800] =	vst v63  }
0xd4: {  	_ =	swait.ge [sflag:s24], $0x4000  }
.Ltmp2:
0xd5: {  	[sflag:s24] =	ssyncset.done $0x0;
	(pc) =	sbr.rel @p0 .LBB2_6-.Ltmp2, $4  }
0xd6: {  	s0 =	sadd.s32 $0xC80, s30;
	[sflag:s24] =	ssyncadd.s32 $0xFFFFC000  }
0xd7: {  	[spmem:s2] =	stream.indirect.scatter.add.f32 [tilespmem:s22], [sflag:$0x3], $0x80, s0, s20, $0xb8;
	[tilespmem:$0xF800] =	vst v63  }
0xd8: {  	_ =	swait.ge [sflag:s16], $0x4000  }
0xd9: {  	s31 =	smov.u32 s17;
	s30 =	sshra.s32 s1, $0x2;
	[sflag:s16] =	ssyncset.done $0x0  }
0xda: {  	s0 =	sadd.s32 $0x80, s30;
	[sflag:s16] =	ssyncadd.s32 $0xFFFFC000  }
0xdb: {  	[tilespmem:s22], [sflag:$0x2] =	stream.indirect.gather [hbm4b:s6+s20], $0x80, s0, s20, $0xb8;
	[tilespmem:$0xF800] =	vst v63  }
0xdc: {  	_ =	swait.ge [sflag:s23], $0x4000  }
0xdd: {  	[sflag:s23] =	ssyncset.done $0x0  }
0xde: {  	s1 =	sadd.s32 $0xC00, s30;
	[sflag:s23] =	ssyncadd.s32 $0xFFFFC000  }
0xdf: {  	[spmem:s2] =	stream.indirect.scatter.add.f32 [tilespmem:s21], [sflag:$0x3], $0x80, s1, s20, $0xb8;
	[tilespmem:$0xF800] =	vst v63  }
0xe0: {  	_ =	swait.ge [sflag:s16], $0x4000  }
0xe1: {  	[sflag:s16] =	ssyncset.done $0x0  }
0xe2: {  	s17 =	sadd.s32 $0x100, s30;
	[sflag:s16] =	ssyncadd.s32 $0xFFFFC000  }
0xe3: {  	[tilespmem:s21], [sflag:$0x1] =	stream.indirect.gather [hbm4b:s6+s20], $0x80, s17, s20, $0xb8;
	[tilespmem:$0xF800] =	vst v63  }
0xe4: {  	_ =	swait.ge [sflag:s24], $0x4000  }
0xe5: {  	[sflag:s24] =	ssyncset.done $0x0  }
0xe6: {  	s1 =	sadd.s32 $0xC80, s30;
	[sflag:s24] =	ssyncadd.s32 $0xFFFFC000  }
0xe7: {  	[spmem:s2] =	stream.indirect.scatter.add.f32 [tilespmem:s22], [sflag:$0x3], $0x80, s1, s20, $0xb8;
	[tilespmem:$0xF800] =	vst v63  }
0xe8: {  	_ =	swait.ge [sflag:s16], $0x4000  }
0xe9: {  	[sflag:s16] =	ssyncset.done $0x0  }
0xea: {  	[sflag:s16] =	ssyncadd.s32 $0xFFFFC000  }
0xeb: {  	[tilespmem:s22], [sflag:$0x2] =	stream.indirect.gather [hbm4b:s6+s20], $0x80, s25, s20, $0xb8;
	[tilespmem:$0xF800] =	vst v63  }
0xec: {  	_ =	swait.ge [sflag:s23], $0x4000  }
0xed: {  	[sflag:s23] =	ssyncset.done $0x0  }
0xee: {  	[sflag:s23] =	ssyncadd.s32 $0xFFFFC000  }
0xef: {  	[spmem:s2] =	stream.indirect.scatter.add.f32 [tilespmem:s21], [sflag:$0x3], $0x80, s26, s20, $0xb8;
	[tilespmem:$0xF800] =	vst v63  }
0xf0: {  	_ =	swait.ge [sflag:s16], $0x4000  }
0xf1: {  	[sflag:s16] =	ssyncset.done $0x0  }
0xf2: {  	[sflag:s16] =	ssyncadd.s32 $0xFFFFC000  }
0xf3: {  	_ =	swait.ge [sflag:s24], $0x4000  }
0xf4: {  	[sflag:s24] =	ssyncset.done $0x0  }
0xf5: {  	[sflag:s24] =	ssyncadd.s32 $0xFFFFC000  }
0xf6: {  	[spmem:s2] =	stream.indirect.scatter.add.f32 [tilespmem:s22], [sflag:$0x3], $0x80, s28, s20, $0xb8;
	[tilespmem:$0xF800] =	vst v63  }
0xf7: {  	_ =	swait.ge [sflag:s16], $0x4000  }
0xf8: {  	[sflag:s16] =	ssyncset.done $0x0  }
0xf9: {  	[sflag:s16] =	ssyncadd.s32 $0xFFFFC000  }
0xfa: {  	[bflag:$0x0] =	sbarrier.arrive $0xFFFF  }
0xfb: {  	[hbm:s13], [sflag:s18] =	dma.local [spmem:s19], $0xC00  }
0xfc: {  	_ =	swait.ge [sflag:s16], $0xC00  }
0xfd: {  	[sflag:s16] =	ssyncset.done $0x0  }
0xfe: {  	[sflag:s16] =	ssyncadd.s32 $0xFFFFF400  }
0xff: {  	[spmem:s19], [sflag:s18] =	dma.local [hbm:s10], $0xC00  }
0x100: {  	_ =	swait.ge [sflag:s16], $0xC00  }
0x101: {  	[sflag:s16] =	ssyncset.done $0x0  }
0x102: {  	[sflag:s16] =	ssyncadd.s32 $0xFFFFF400  }
0x103: {  	s17 =	simm.s32 $0x0;
	[bflag:$0x0] =	sbarrier.arrive $0xFFFF  }
0x104: {  	[tilespmem:s21], [sflag:$0x1] =	stream.indirect.gather [hbm4b:s7+s20], $0x80, s17, s20, $0xb8;
	[tilespmem:$0xF800] =	vst v63  }
0x105: {  	s1 =	simm.s32 $0x80  }
0x106: {  	[tilespmem:s22], [sflag:$0x2] =	stream.indirect.gather [hbm4b:s7+s20], $0x80, s1, s20, $0xb8;
	[tilespmem:$0xF800] =	vst v63  }
0x107: {  	_ =	swait.ge [sflag:s23], $0x4000  }
0x108: {  	[sflag:s23] =	ssyncset.done $0x0  }
0x109: {  	s17 =	simm.s32 $0xC00;
	[sflag:s23] =	ssyncadd.s32 $0xFFFFC000  }
0x10a: {  	[spmem:s2] =	stream.indirect.scatter.add.f32 [tilespmem:s21], [sflag:$0x3], $0x80, s17, s20, $0xb8;
	[tilespmem:$0xF800] =	vst v63  }
0x10b: {  	_ =	swait.ge [sflag:s16], $0x4000  }
0x10c: {  	[sflag:s16] =	ssyncset.done $0x0  }
0x10d: {  	s1 =	simm.s32 $0x100;
	[sflag:s16] =	ssyncadd.s32 $0xFFFFC000  }
0x10e: {  	[tilespmem:s21], [sflag:$0x1] =	stream.indirect.gather [hbm4b:s7+s20], $0x80, s1, s20, $0xb8;
	[tilespmem:$0xF800] =	vst v63  }
0x10f: {  	_ =	swait.ge [sflag:s24], $0x4000  }
0x110: {  	[sflag:s24] =	ssyncset.done $0x0  }
0x111: {  	s17 =	simm.s32 $0xC80;
	[sflag:s24] =	ssyncadd.s32 $0xFFFFC000  }
0x112: {  	[spmem:s2] =	stream.indirect.scatter.add.f32 [tilespmem:s22], [sflag:$0x3], $0x80, s17, s20, $0xb8;
	[tilespmem:$0xF800] =	vst v63  }
0x113: {  	_ =	swait.ge [sflag:s16], $0x4000  }
0x114: {  	s31 =	simm.s32 $0x800;
	s30 =	simm.s32 $0x100;
	[sflag:s16] =	ssyncset.done $0x0  }
.LBB2_8:
0x115: {  	s0 =	sadd.s32 $0x80, s30  }
0x116: {  	[sflag:s16] =	ssyncadd.s32 $0xFFFFC000;
	s1 =	smov.u32 s31;
	s17 =	sadd.s32 $0x400, s31  }
0x117: {  	[tilespmem:s22], [sflag:$0x2] =	stream.indirect.gather [hbm4b:s7+s20], $0x80, s0, s20, $0xb8;
	[tilespmem:$0xF800] =	vst v63  }
0x118: {  	p0 =	sne.s32 s31, $0x2800;
	_ =	swait.ge [sflag:s23], $0x4000  }
0x119: {  	[sflag:s23] =	ssyncset.done $0x0  }
0x11a: {  	s0 =	sadd.s32 $0xC00, s30;
	[sflag:s23] =	ssyncadd.s32 $0xFFFFC000  }
0x11b: {  	[spmem:s2] =	stream.indirect.scatter.add.f32 [tilespmem:s21], [sflag:$0x3], $0x80, s0, s20, $0xb8;
	[tilespmem:$0xF800] =	vst v63  }
0x11c: {  	_ =	swait.ge [sflag:s16], $0x4000  }
0x11d: {  	[sflag:s16] =	ssyncset.done $0x0  }
0x11e: {  	s0 =	sadd.s32 $0x100, s30;
	[sflag:s16] =	ssyncadd.s32 $0xFFFFC000  }
0x11f: {  	[tilespmem:s21], [sflag:$0x1] =	stream.indirect.gather [hbm4b:s7+s20], $0x80, s0, s20, $0xb8;
	[tilespmem:$0xF800] =	vst v63  }
0x120: {  	_ =	swait.ge [sflag:s24], $0x4000  }
.Ltmp3:
0x121: {  	[sflag:s24] =	ssyncset.done $0x0;
	(pc) =	sbr.rel @p0 .LBB2_8-.Ltmp3, $4  }
0x122: {  	s0 =	sadd.s32 $0xC80, s30;
	[sflag:s24] =	ssyncadd.s32 $0xFFFFC000  }
0x123: {  	[spmem:s2] =	stream.indirect.scatter.add.f32 [tilespmem:s22], [sflag:$0x3], $0x80, s0, s20, $0xb8;
	[tilespmem:$0xF800] =	vst v63  }
0x124: {  	_ =	swait.ge [sflag:s16], $0x4000  }
0x125: {  	s31 =	smov.u32 s17;
	s30 =	sshra.s32 s1, $0x2;
	[sflag:s16] =	ssyncset.done $0x0  }
0x126: {  	s0 =	sadd.s32 $0x80, s30;
	[sflag:s16] =	ssyncadd.s32 $0xFFFFC000  }
0x127: {  	[tilespmem:s22], [sflag:$0x2] =	stream.indirect.gather [hbm4b:s7+s20], $0x80, s0, s20, $0xb8;
	[tilespmem:$0xF800] =	vst v63  }
0x128: {  	_ =	swait.ge [sflag:s23], $0x4000  }
0x129: {  	[sflag:s23] =	ssyncset.done $0x0  }
0x12a: {  	s1 =	sadd.s32 $0xC00, s30;
	[sflag:s23] =	ssyncadd.s32 $0xFFFFC000  }
0x12b: {  	[spmem:s2] =	stream.indirect.scatter.add.f32 [tilespmem:s21], [sflag:$0x3], $0x80, s1, s20, $0xb8;
	[tilespmem:$0xF800] =	vst v63  }
0x12c: {  	_ =	swait.ge [sflag:s16], $0x4000  }
0x12d: {  	[sflag:s16] =	ssyncset.done $0x0  }
0x12e: {  	s17 =	sadd.s32 $0x100, s30;
	[sflag:s16] =	ssyncadd.s32 $0xFFFFC000  }
0x12f: {  	[tilespmem:s21], [sflag:$0x1] =	stream.indirect.gather [hbm4b:s7+s20], $0x80, s17, s20, $0xb8;
	[tilespmem:$0xF800] =	vst v63  }
0x130: {  	_ =	swait.ge [sflag:s24], $0x4000  }
0x131: {  	[sflag:s24] =	ssyncset.done $0x0  }
0x132: {  	s31 =	sadd.s32 $0xC80, s30;
	[sflag:s24] =	ssyncadd.s32 $0xFFFFC000  }
0x133: {  	[spmem:s2] =	stream.indirect.scatter.add.f32 [tilespmem:s22], [sflag:$0x3], $0x80, s31, s20, $0xb8;
	[tilespmem:$0xF800] =	vst v63  }
0x134: {  	_ =	swait.ge [sflag:s16], $0x4000  }
0x135: {  	[sflag:s16] =	ssyncset.done $0x0  }
0x136: {  	[sflag:s16] =	ssyncadd.s32 $0xFFFFC000  }
0x137: {  	[tilespmem:s22], [sflag:$0x2] =	stream.indirect.gather [hbm4b:s7+s20], $0x80, s25, s20, $0xb8;
	[tilespmem:$0xF800] =	vst v63  }
0x138: {  	_ =	swait.ge [sflag:s23], $0x4000  }
0x139: {  	[sflag:s23] =	ssyncset.done $0x0  }
0x13a: {  	[sflag:s23] =	ssyncadd.s32 $0xFFFFC000  }
0x13b: {  	[spmem:s2] =	stream.indirect.scatter.add.f32 [tilespmem:s21], [sflag:$0x3], $0x80, s26, s20, $0xb8;
	[tilespmem:$0xF800] =	vst v63  }
0x13c: {  	_ =	swait.ge [sflag:s16], $0x4000  }
0x13d: {  	[sflag:s16] =	ssyncset.done $0x0  }
0x13e: {  	[sflag:s16] =	ssyncadd.s32 $0xFFFFC000  }
0x13f: {  	_ =	swait.ge [sflag:s24], $0x4000  }
0x140: {  	[sflag:s24] =	ssyncset.done $0x0  }
0x141: {  	[sflag:s24] =	ssyncadd.s32 $0xFFFFC000  }
0x142: {  	[spmem:s2] =	stream.indirect.scatter.add.f32 [tilespmem:s22], [sflag:$0x3], $0x80, s28, s20, $0xb8;
	[tilespmem:$0xF800] =	vst v63  }
0x143: {  	_ =	swait.ge [sflag:s16], $0x4000  }
0x144: {  	s29 =	sadd.s32 $0x1, s29;
	[sflag:s16] =	ssyncset.done $0x0  }
0x145: {  	p0 =	sne.s32 s29, s15;
	[sflag:s16] =	ssyncadd.s32 $0xFFFFC000  }
.Ltmp4:
0x146: {  	[bflag:$0x0] =	sbarrier.arrive $0xFFFF;
	(pc) =	sbr.rel @p0 .LBB2_1-.Ltmp4, $4  }
0x147: {  	[hbm:s14], [sflag:s18] =	dma.local [spmem:s19], $0xC00  }
0x148: {  	_ =	swait.ge [sflag:s16], $0xC00  }
0x149: {  	[sflag:s16] =	ssyncset.done $0x0  }
0x14a: {  	[sflag:s16] =	ssyncadd.s32 $0xFFFFF400  }
0x14b: {  	_ =	sfence.sel $0x180000  }
0x14c: {  	[bflag:$0x0] =	sbarrier.arrive $0xFFFF  }
0x14d: {  	_ =	strace $0x9000004A  }
0x14e: {  	s0 =	stileid.u32;
	[bflag:$0x2] =	sbarrier.arrive $0xFFFF  }
0x14f: {  	p0 =	sne.s32 s0, $0x0;
	s0 =	rddreg [dreg:$0x3]  }
0x150: {  	s0 =	sadd.s32 @!p0 $0x100000, s0  }
0x151: {  	[sflag:s0] =	ssyncadd.tile.s32 @!p0 $0x1;
	_ =	shalt  }
.Lfunc_end2:
_tile_overlayer_lowered:
.L_overlay_start_2:
0x152: {  	(tag) =	ssettag $0x2  }
0x153: {  	s0 =	rddreg [dreg:$0x0];
	s2 =	stileid.u32  }
0x154: {  	s1 =	rddreg [dreg:$0x1];
	p0 =	sne.s32 s2, $0x0  }
0x155: {  	s3 =	rddreg [dreg:$0x2];
	[bflag:$0x3] =	sbarrier.arrive $0xFFFF;
	s2 =	simm.s32 @!p0 $0x1C03  }
0x156: {  	[timem:s3], [sflag:s2] =	dma.local @!p0 [hbm:s0], s1  }
0x157: {  	s0 =	simm.s32 @!p0 $0x3  }
0x158: {  	_ =	swait.ge @!p0 [sflag:s0], s1  }
0x159: {  	s1 =	ssub.s32 @!p0 $0x0, s1;
	[sflag:s0] =	ssyncset.done @!p0 $0x0  }
0x15a: {  	[sflag:s0] =	ssyncadd.s32 @!p0 s1  }
0x15b: {  	[bflag:$0x3] =	sbarrier.arrive $0xFFFF  }
0x15c: {  	_ =	shalt  }

// kernel: kernel.7.cloned.1.call-start
scs
__scs_entry_jumppad:
0x0: {  	(pc) =	sbr.rel $0x88, $3  }
0x1: {  	(tag) =	ssettag $0x0;
	lr =	simm.s32 $0x1  }
0x2: {  	[smem:$0x3F95] =	sst lr;
	_ =	strace $0xD0000000  }
0x3: {  	_ = 	snop  }
0x4: {  	_ = 	snop  }
0x5: {  	_ = 	snop  }
0x6: {  	_ = 	snop  }
0x7: {  	_ = 	snop  }
__scs_overlays_trampoline_lowered:
0x8: {  	[smem:$0x3FA4] =	sst s0  }
0x9: {  	[smem:$0x3FA5] =	sst s1  }
0xa: {  	[smem:$0x3FA6] =	sst s2  }
0xb: {  	[smem:$0x3FA7] =	sst s3  }
0xc: {  	[smem:$0x3FA8] =	sst s4  }
0xd: {  	[smem:$0x3FA9] =	sst s5  }
0xe: {  	[smem:$0x3FAA] =	sst s6  }
0xf: {  	[smem:$0x3FAB] =	sst s7  }
0x10: {  	[smem:$0x3FAC] =	sst s8  }
0x11: {  	[smem:$0x3FAD] =	sst s9;
	s0 =	simm.s32 @!p0 $0x0  }
0x12: {  	s1 =	sld [smem:$0x3F93];
	s0 =	simm.s32 @p0 $0x1  }
0x13: {  	[smem:$0x3FAE] =	sst s0;
	s0 =	simm.s32 @!p1 $0x0  }
0x14: {  	s2 =	sld [smem:$0x3F92];
	s0 =	simm.s32 @p1 $0x1  }
0x15: {  	[smem:$0x3FAF] =	sst s0;
	s0 =	simm.s32 @!p2 $0x0  }
0x16: {  	s3 =	sld [smem:$0x3FDB];
	s0 =	simm.s32 @p2 $0x1  }
0x17: {  	s4 =	simm.s32 $0x1BF5;
	[smem:$0x3FB1] =	sst s0  }
0x18: {  	s0 =	sld [smem:$0x3F94];
	_ =	swait.ge [sflag:s4], $0x0  }
0x19: {  	s7 =	sld [smem:$0x3F95]  }
0x1a: {  	s8 =	sadd.s32 $0xFFFFE003, lr  }
0x1b: {  	s9 =	sadd.s32 $0xFFFFFEF7, lr;
	s5 =	simm.s32 $0xFFFFFFFF;
	p2 =	slt.u32 s8, $0xFFFFF086  }
0x1c: {  	p1 =	slt.u32 s9, $0xF7A;
	s5 =	simm.s32 @!p2 $0x0  }
0x1d: {  	s5 =	simm.s32 @p1 $0x1;
	p0 =	seq.s32 s7, s2  }
0x1e: {  	s7 =	smul.u32 @!p0 $0xF7A, s2;
	p2 =	seq.s32 @!p0 s5, $0x0  }
0x1f: {  	s9 =	smul.u32 $0xF7A, s1;
	s8 =	simm.s32 @!p0 $0x1BF5;
	p2 =	por !p2, p0  }
0x20: {  	[sflag:s8] =	ssyncset.s32 @!p0 $0xFFFFF086;
	s6 =	sadd.s32 @!p0 s3, s7;
	s7 =	simm.s32 @!p0 $0x108  }
0x21: {  	s3 =	sadd.s32 s3, s9;
	s6 =	sadd.s32 @!p0 $0x88, s6;
	s7 =	simm.s32 @p2 $0x1082  }
0x22: {  	[simem:s7], [sflag:s8] =	dma.local @!p0 [hbm:s6], $0xF7A  }
0x23: {  	s9 =	sor.u32 $0xD0000000, s2;
	s6 =	simm.s32 $0x108;
	_ =	swait.ge @!p0 [sflag:s8], $0x0  }
0x24: {  	s3 =	sadd.s32 $0x88, s3;
	s6 =	simm.s32 @!p1 $0x1082;
	[sflag:s4] =	ssyncset.s32 $0xFFFFF086  }
0x25: {  	[simem:s6], [sflag:s4] =	dma.local [hbm:s3], $0xF7A  }
0x26: {  	[smem:$0x3F95] =	sst s1;
	(tag) =	ssettag s2;
	_ =	strace s9  }
0x27: {  	s1 =	sld [smem:$0x3FA5]  }
0x28: {  	s2 =	sld [smem:$0x3FA6]  }
0x29: {  	s4 =	sld [smem:$0x3FA8]  }
0x2a: {  	p0 =	seq.s32 s5, $0x0;
	s5 =	sld [smem:$0x3FA9]  }
0x2b: {  	s6 =	sld [smem:$0x3FAA]  }
0x2c: {  	s7 =	sld [smem:$0x3FAB]  }
0x2d: {  	s3 =	simm.s32 $0x108;
	s8 =	sld [smem:$0x3FAC]  }
0x2e: {  	s3 =	simm.s32 @!p0 $0x1082;
	s9 =	sld [smem:$0x3FAD]  }
0x2f: {  	lr =	sadd.s32 s0, s3;
	s0 =	sld [smem:$0x3FA4]  }
0x30: {  	s3 =	sld [smem:$0x3FA7]  }
0x31: {  	[smem:$0x3FB0] =	sst s10  }
0x32: {  	s10 =	sld [smem:$0x3FAE];
	_ =	sdelay $0x3  }
0x33: {  	p0 =	seq.s32 s10, $0x1;
	s10 =	sld [smem:$0x3FB0];
	_ =	sdelay $0x3  }
0x34: {  	[smem:$0x3FB0] =	sst s10  }
0x35: {  	s10 =	sld [smem:$0x3FAF];
	_ =	sdelay $0x3  }
0x36: {  	p1 =	seq.s32 s10, $0x1;
	s10 =	sld [smem:$0x3FB0];
	_ =	sdelay $0x3  }
0x37: {  	[smem:$0x3FB0] =	sst s10  }
0x38: {  	s10 =	sld [smem:$0x3FB1]  }
0x39: {  	_ = 	snop;
	(pc) =	sbr.ind lr, $3  }
0x3a: {  	_ = 	snop  }
0x3b: {  	_ = 	snop  }
0x3c: {  	p2 =	seq.s32 s10, $0x1;
	s10 =	sld [smem:$0x3FB0]  }
0x3d: {  	_ =	shalt  }
0x3e: {  	_ =	shalt  }
0x3f: {  	_ =	shalt  }
0x40: {  	_ =	shalt  }
0x41: {  	_ =	shalt  }
0x42: {  	_ =	shalt  }
0x43: {  	_ =	shalt  }
0x44: {  	_ =	shalt  }
0x45: {  	_ =	shalt  }
0x46: {  	_ =	shalt  }
0x47: {  	_ =	shalt  }
0x48: {  	_ =	shalt  }
0x49: {  	_ =	shalt  }
0x4a: {  	_ =	shalt  }
0x4b: {  	_ =	shalt  }
0x4c: {  	_ =	shalt  }
0x4d: {  	_ =	shalt  }
0x4e: {  	_ =	shalt  }
0x4f: {  	_ =	shalt  }
0x50: {  	_ =	shalt  }
0x51: {  	_ =	shalt  }
0x52: {  	_ =	shalt  }
0x53: {  	_ =	shalt  }
0x54: {  	_ =	shalt  }
0x55: {  	_ =	shalt  }
0x56: {  	_ =	shalt  }
0x57: {  	_ =	shalt  }
0x58: {  	_ =	shalt  }
0x59: {  	_ =	shalt  }
0x5a: {  	_ =	shalt  }
0x5b: {  	_ =	shalt  }
0x5c: {  	_ =	shalt  }
0x5d: {  	_ =	shalt  }
0x5e: {  	_ =	shalt  }
0x5f: {  	_ =	shalt  }
0x60: {  	_ =	shalt  }
0x61: {  	_ =	shalt  }
0x62: {  	_ =	shalt  }
0x63: {  	_ =	shalt  }
0x64: {  	_ =	shalt  }
0x65: {  	_ =	shalt  }
0x66: {  	_ =	shalt  }
0x67: {  	_ =	shalt  }
0x68: {  	_ =	shalt  }
0x69: {  	_ =	shalt  }
0x6a: {  	_ =	shalt  }
0x6b: {  	_ =	shalt  }
0x6c: {  	_ =	shalt  }
0x6d: {  	_ =	shalt  }
0x6e: {  	_ =	shalt  }
0x6f: {  	_ =	shalt  }
0x70: {  	_ =	shalt  }
0x71: {  	_ =	shalt  }
0x72: {  	_ =	shalt  }
0x73: {  	_ =	shalt  }
0x74: {  	_ =	shalt  }
0x75: {  	_ =	shalt  }
0x76: {  	_ =	shalt  }
0x77: {  	_ =	shalt  }
0x78: {  	_ =	shalt  }
0x79: {  	_ =	shalt  }
0x7a: {  	_ =	shalt  }
0x7b: {  	_ =	shalt  }
0x7c: {  	_ =	shalt  }
0x7d: {  	_ =	shalt  }
0x7e: {  	_ =	shalt  }
0x7f: {  	_ =	shalt  }
0x80: {  	_ =	shalt  }
0x81: {  	_ =	shalt  }
0x82: {  	_ =	shalt  }
0x83: {  	_ =	shalt  }
0x84: {  	_ =	shalt  }
0x85: {  	_ =	shalt  }
0x86: {  	_ =	shalt  }
0x87: {  	_ =	shalt  }
.Lfunc_end0:
.L_simem_size_0:
called_computation_lowered:
.L_overlay_start_0:
0x88: {  	s2 =	sld [smem:$0x3FD9]  }
0x89: {  	s3 =	sld [smem:$0x3FFE];
	_ =	sdelay $0x1  }
0x8a: {  	s1 =	srdreg.scid  }
0x8b: {  	s0 =	sand.u32 $0x1, s1  }
0x8c: {  	s14 =	sshll.u32 s0, $0xA;
	s2 =	sadd.s32 s3, s2  }
0x8d: {  	s2 =	sadd.s32 s2, s14  }
0x8e: {  	[smem:$0x3FBC] =	sst s2  }
0x8f: {  	_ = 	snop  }
0x90: {  	s2 =	sld [smem:$0x3FD0];
	_ =	sdelay $0x2  }
0x91: {  	s15 =	simm.s32 $0xA;
	s4 =	simm.s32 $0x10  }
0x92: {  	[smem:s4], [sflag:s15] =	dma.local [hbm:s2], $0x1  }
0x93: {  	_ =	swait.eq [sflag:s15], $0x1  }
0x94: {  	[sflag:s15] =	ssyncset.done $0x0  }
0x95: {  	s16 =	sld [smem:$0x10];
	[sflag:s15] =	ssyncadd.s32 $0xFFFFFFFF  }
0x96: {  	s17 =	sld [smem:$0x11];
	(tm) =	ssettm $0x1  }
0x97: {  	s18 =	sld [smem:$0x3FFB];
	_ =	sdelay $0x3  }
0x98: {  	_ =	strace s18  }
0x99: {  	s4 =	sld [smem:$0x3FFC];
	_ =	sdelay $0x3  }
0x9a: {  	_ =	strace s4  }
0x9b: {  	s4 =	sld [smem:$0x3FFD];
	_ =	sdelay $0x3  }
0x9c: {  	_ =	strace s4  }
0x9d: {  	_ =	strace $0x8FFFFFFF  }
0x9e: {  	s19 =	sld [smem:$0x3FDB];
	_ =	sdelay $0x1  }
0x9f: {  	s5 =	simm.s32 $_scs_section_size  }
0xa0: {  	s6 =	simm.s32 $_size__tile_overlayer_lowered;
	s7 =	simm.s32 $_tile_overlayer_lowered  }
0xa1: {  	s22 =	simm.s32 $0x1BFF;
	s21 =	sshll.u32 s7, $0x1;
	s4 =	sadd.s32 s5, s19  }
0xa2: {  	s8 =	simm.s32 $0x0;
	s20 =	sshll.u32 s6, $0x1;
	s6 =	sadd.s32 s21, s4  }
0xa3: {  	[timem:s8], [sflag:s22] =	dma.local [hbm:s6], s20  }
0xa4: {  	_ =	swait.ge [sflag:s22], s20  }
0xa5: {  	s5 =	ssub.s32 $0x0, s20;
	[sflag:s22] =	ssyncset.done $0x0  }
0xa6: {  	[sflag:s22] =	ssyncadd.s32 s5;
	_ =	sdelay $0x1  }
0xa7: {  	s23 =	simm.s32 $0x1B8B  }
0xa8: {  	_ =	swait.ge [sflag:s23], $0x1  }
0xa9: {  	[sflag:s23] =	ssyncset.done $0x0  }
0xaa: {  	s25 =	simm.s32 $0x1B8E;
	s24 =	sld [smem:$0x3FFE];
	[sflag:s23] =	ssyncadd.s32 $0xFFFFFFFF  }
0xab: {  	s26 =	simm.s32 $execute0_lowered;
	[smem:$0x3FD2] =	sst s25  }
0xac: {  	s6 =	sshll.u32 s26, $0x1;
	_ =	strace $0x80000046;
	[dreg:$0x1] =	wrdreg $0xFFFFFFFF  }
0xad: {  	s28 =	simm.s32 $_size_execute0_lowered;
	s4 =	sadd.s32 s4, s6;
	[dreg:$0x0] =	wrdreg $0x0  }
0xae: {  	s6 =	sshll.u32 s28, $0x1;
	[dreg:$0x2] =	wrdreg s4  }
0xaf: {  	[dreg:$0x3] =	wrdreg s6  }
0xb0: {  	[dreg:$0x4] =	wrdreg $0xC0  }
0xb1: {  	_ =	task [dreg:s8], $0x5FFFF  }
0xb2: {  	[dreg:$0x1] =	wrdreg $0xFFFFFFFF  }
0xb3: {  	[dreg:$0x0] =	wrdreg $0x60  }
0xb4: {  	[dreg:$0x2] =	wrdreg s24  }
0xb5: {  	[dreg:$0x3] =	wrdreg s16  }
0xb6: {  	[dreg:$0x4] =	wrdreg s17  }
0xb7: {  	[dreg:$0x5] =	wrdreg $0x6C800  }
0xb8: {  	[dreg:$0x6] =	wrdreg $0x9  }
0xb9: {  	_ =	task.clear_ibuf [dreg:s8], $0x7FFFF;
	_ =	strace $0x90000046  }
0xba: {  	s29 =	simm.s32 $0x9;
	_ =	strace $0x80000048  }
0xbb: {  	_ =	swait.ge [sflag:s29], $0x1  }
0xbc: {  	[sflag:s29] =	ssyncadd.s32 $0xFFFFFFFF  }
0xbd: {  	_ =	strace $0x90000048  }
0xbe: {  	_ =	sfence  }
0xbf: {  	s30 =	sld [smem:$0x0];
	_ =	sdelay $0x2  }
0xc0: {  	s31 =	sshll.u32 s1, $0xD;
	s1 =	sshrl.u32 s1, $0x2  }
0xc1: {  	s3 =	sand.u32 $0x4000, s31;
	s1 =	sadd.s32 s1, s30  }
0xc2: {  	s0 =	sor.u32 s3, s0;
	s1 =	sshll.u32 s1, $0x11  }
0xc3: {  	s0 =	sor.u32 s1, s0  }
0xc4: {  	s0 =	sadd.s32 $0x8F2B, s0  }
0xc5: {  	[sflag:s0] =	ssyncadd.remote.s32 $0x1  }
0xc6: {  	_ =	sfence.sel $0xFFFF  }
0xc7: {  	[dreg:$0x0] =	wrdreg $0xFFFFFFFF;
	(pc) =	sbr.abs _section_cstart, $3  }
0xc8: {  	[dreg:$0x1] =	wrdreg $0xFFFFFFFF  }
0xc9: {  	_ =	task.clear_ibuf [dreg:s8], $0x2FFFF;
	_ =	strace $0x9FFFFFFF  }
0xca: {  	(tm) =	ssettm $0x7FFFFFFF  }
0xcb: {  	_ =	shalt  }
tec
execute0_lowered:
.L_overlay_start_1:
0x0: {  	(tag) =	ssettag $0x1  }
0x1: {  	s5 =	rddreg [dreg:$0x0]  }
0x2: {  	s1 =	srdreg.scid;
	s6 =	rddreg [dreg:$0x1]  }
0x3: {  	s0 =	stileid.u32;
	s2 =	rddreg [dreg:$0x2];
	s4 =	simm.s32 $0x0  }
0x4: {  	s1 =	sand.u32 $0x1, s1;
	s3 =	sshll.u32 s0, $0x1;
	[smem:$0x7FF] =	sst s4  }
0x5: {  	s22 =	sadd.s32 $0x7600, s5;
	s7 =	sor.u32 s1, s3;
	s3 =	rddreg [dreg:$0x3]  }
0x6: {  	s25 =	simm.s32 $0x4C00;
	_ =	strace $0x80000047;
	[dreg:$0x5] =	wrdreg s22  }
0x7: {  	s26 =	simm.s32 $0x5480;
	[dreg:$0xb] =	wrdreg s25  }
0x8: {  	s13 =	simm.s32 $0x280;
	[dreg:$0xc] =	wrdreg s26  }
0x9: {  	s15 =	simm.s32 $0x300;
	s9 =	smul.u32 $0x6000, s0;
	[dreg:$0x12] =	wrdreg s13  }
0xa: {  	s10 =	smul.u32 $0x60000, s1;
	[dreg:$0x13] =	wrdreg s15  }
0xb: {  	s8 =	smul.u32 $0x180, s7;
	s11 =	sshrl.u32 s9, $0x3;
	s23 =	sshll.u32 s7, $0x1  }
0xc: {  	s7 =	sshll.u32 s7, $0xA;
	s9 =	sadd.s32 s9, s10;
	s6 =	sadd.s32 s6, s23  }
0xd: {  	s21 =	sadd.s32 s11, s5;
	s11 =	simm.s32 $0x200;
	[dreg:$0x8] =	wrdreg s6  }
0xe: {  	s8 =	sadd.s32 s8, s5;
	s10 =	sadd.s32 $0x7E00, s21;
	[dreg:$0x11] =	wrdreg s11  }
0xf: {  	s9 =	sshrl.u32 s9, $0x3;
	s6 =	simm.s32 $0x5C80;
	[dreg:$0x6] =	wrdreg s10  }
0x10: {  	s9 =	sadd.s32 s9, s5;
	s8 =	sadd.s32 $0x1600, s8;
	[dreg:$0xd] =	wrdreg s6  }
0x11: {  	s5 =	sadd.s32 s7, s5;
	s7 =	simm.s32 $0x6480;
	[dreg:$0x7] =	wrdreg s8  }
0x12: {  	s10 =	simm.s32 $0x180;
	[dreg:$0xe] =	wrdreg s7  }
0x13: {  	[dreg:$0x10] =	wrdreg s10  }
0x14: {  	s24 =	sadd.s32 $0x13E00, s9;
	s8 =	smul.u32 $0x18000, s0;
	s14 =	rddreg [dreg:$0x6]  }
0x15: {  	s5 =	sadd.s32 $0x2BE00, s5;
	[dreg:$0x9] =	wrdreg s24  }
0x16: {  	s9 =	simm.s32 $0x100;
	[dreg:$0xa] =	wrdreg s5;
	s6 =	sshrl.u32 s8, $0x2  }
0x17: {  	s12 =	sshll.u32 s0, $0x6;
	[dreg:$0xf] =	wrdreg s9;
	s6 =	sadd.s32 s6, s3  }
0x18: {  	s5 =	sor.u32 $0x1C03, s12;
	s7 =	sshrl.u32 s6, $0x3;
	s6 =	simm.s32 $0x3  }
0x19: {  	[spmem:s7], [sflag:s5] =	dma.local [hbm:s14], $0xC00  }
0x1a: {  	_ =	swait.ge [sflag:s6], $0xC00  }
0x1b: {  	[sflag:s6] =	ssyncset.done $0x0  }
0x1c: {  	s8 =	simm.s32 $0xC00;
	s16 =	rddreg [dreg:$0x5];
	[sflag:s6] =	ssyncadd.s32 $0xFFFFF400  }
0x1d: {  	[tilespmem:s8], [sflag:$0x3] =	stream.linear.gather [hbm4b:s16+s4], $0x4000, $0x38;
	[tilespmem:$0xCC80] =	vst v63  }
0x1e: {  	_ =	swait.ge [sflag:s6], $0x4000  }
0x1f: {  	[sflag:s6] =	ssyncset.done $0x0  }
0x20: {  	s17 =	rddreg [dreg:$0x7];
	[sflag:s6] =	ssyncadd.s32 $0xFFFFC000  }
0x21: {  	[tilespmem:s4], [sflag:$0x3] =	stream.linear.gather [hbm4b:s17+s4], $0xC00, $0x38;
	[tilespmem:$0xCC80] =	vst v63  }
0x22: {  	_ =	swait.ge [sflag:s6], $0xC00  }
0x23: {  	s18 =	rddreg [dreg:$0x8];
	[sflag:s6] =	ssyncset.done $0x0  }
0x24: {  	s19 =	rddreg [dreg:$0xb];
	[sflag:s6] =	ssyncadd.s32 $0xFFFFF400  }
0x25: {  	[tilespmem:s19], [sflag:$0x3] =	stream.linear.gather [hbm4b:s18+s4], $0x10, $0x38;
	[tilespmem:$0xCC80] =	vst v63  }
0x26: {  	_ =	swait.ge [sflag:s6], $0x10  }
0x27: {  	[sflag:s6] =	ssyncset.done $0x0  }
0x28: {  	[sflag:s6] =	ssyncadd.s32 $0xFFFFFFF0  }
0x29: {  	v0 =	vld [tilespmem:$0x4C00];
	_ =	sdelay $0x4  }
0x2a: {  	v1 =	vshll.u32 v0, $0x2  }
0x2b: {  	v2 =	vlaneseq.u32;
	v3 =	vand.u32 $0x7, v0;
	v1 =	vand.u32 $0xFFFFFFE0, v1  }
0x2c: {  	v4 =	vshrl.u32 v2, $0x3;
	v0 =	vand.u32 $0x7, v2;
	v3 =	vor.u32 v3, v1  }
0x2d: {  	v1 =	vmul.u32 $0x8, v4;
	v63 =	vperm.xlane v3, v0;
	_ =	sdelay $0x1  }
0x2e: {  	v4 =	vadd.s32 v1, v63  }
0x2f: {  	v2 =	vor.u32 $0x8, v2  }
0x30: {  	v3 =	vperm.xlane v3, v2;
	_ =	sdelay $0x1  }
0x31: {  	vm0 =	vmmov $0xffff;
	s9 =	simm.s32 $0x4C80;
	v3 =	vadd.s32 v1, v3  }
0x32: {  	[tilespmem:s9], [sflag:$0x2] =	stream.indirect_vreg.gather [hbm4b:s2+s4], $0x80, v4, vm0, $0xb8;
	[tilespmem:$0xCC80] =	vst v63  }
0x33: {  	s10 =	sadd.s32 $0x100, s2;
	s20 =	rddreg [dreg:$0xc]  }
0x34: {  	[tilespmem:s20], [sflag:$0x2] =	stream.indirect_vreg.gather [hbm4b:s10+s4], $0x80, v4, vm0, $0xb8;
	[tilespmem:$0xCC80] =	vst v63  }
0x35: {  	s12 =	rddreg [dreg:$0xd]  }
0x36: {  	[tilespmem:s12], [sflag:$0x2] =	stream.indirect_vreg.gather [hbm4b:s2+s4], $0x80, v3, vm0, $0xb8;
	[tilespmem:$0xCC80] =	vst v63  }
0x37: {  	s21 =	rddreg [dreg:$0xe]  }
0x38: {  	[tilespmem:s21], [sflag:$0x2] =	stream.indirect_vreg.gather [hbm4b:s10+s4], $0x80, v3, vm0, $0xb8;
	[tilespmem:$0xCC80] =	vst v63  }
0x39: {  	s11 =	simm.s32 $0x80;
	[bflag:$0x0] =	sbarrier.arrive $0xFFFF  }
0x3a: {  	[spmem:s3] =	stream.indirect.scatter.add.f32 [tilespmem:s8], [sflag:$0x1], $0x80, s4, s11, $0xb8;
	[tilespmem:$0xCC80] =	vst v63  }
0x3b: {  	_ = 	snop  }
0x3c: {  	[spmem:s3] =	stream.indirect.scatter.add.f32 [tilespmem:s8], [sflag:$0x1], $0x80, s11, s11, $0xb8;
	[tilespmem:$0xCC80] =	vst v63  }
0x3d: {  	s22 =	rddreg [dreg:$0xf]  }
0x3e: {  	[spmem:s3] =	stream.indirect.scatter.add.f32 [tilespmem:s8], [sflag:$0x1], $0x80, s22, s11, $0xb8;
	[tilespmem:$0xCC80] =	vst v63  }
0x3f: {  	s13 =	rddreg [dreg:$0x10]  }
0x40: {  	[spmem:s3] =	stream.indirect.scatter.add.f32 [tilespmem:s8], [sflag:$0x1], $0x80, s13, s11, $0xb8;
	[tilespmem:$0xCC80] =	vst v63  }
0x41: {  	s23 =	rddreg [dreg:$0x11]  }
0x42: {  	[spmem:s3] =	stream.indirect.scatter.add.f32 [tilespmem:s8], [sflag:$0x1], $0x80, s23, s11, $0xb8;
	[tilespmem:$0xCC80] =	vst v63  }
0x43: {  	s24 =	rddreg [dreg:$0x12]  }
0x44: {  	[spmem:s3] =	stream.indirect.scatter.add.f32 [tilespmem:s8], [sflag:$0x1], $0x80, s24, s11, $0xb8;
	[tilespmem:$0xCC80] =	vst v63  }
0x45: {  	s25 =	rddreg [dreg:$0x13]  }
0x46: {  	[spmem:s3] =	stream.indirect.scatter.add.f32 [tilespmem:s8], [sflag:$0x1], $0x80, s25, s11, $0xb8;
	[tilespmem:$0xCC80] =	vst v63  }
0x47: {  	s26 =	simm.s32 $0x380  }
0x48: {  	[spmem:s3] =	stream.indirect.scatter.add.f32 [tilespmem:s8], [sflag:$0x1], $0x80, s26, s11, $0xb8;
	[tilespmem:$0xCC80] =	vst v63  }
0x49: {  	s13 =	simm.s32 $0x400  }
0x4a: {  	[spmem:s3] =	stream.indirect.scatter.add.f32 [tilespmem:s8], [sflag:$0x1], $0x80, s13, s11, $0xb8;
	[tilespmem:$0xCC80] =	vst v63  }
0x4b: {  	s14 =	simm.s32 $0x480  }
0x4c: {  	[spmem:s3] =	stream.indirect.scatter.add.f32 [tilespmem:s8], [sflag:$0x1], $0x80, s14, s11, $0xb8;
	[tilespmem:$0xCC80] =	vst v63  }
0x4d: {  	s15 =	simm.s32 $0x500  }
0x4e: {  	[spmem:s3] =	stream.indirect.scatter.add.f32 [tilespmem:s8], [sflag:$0x1], $0x80, s15, s11, $0xb8;
	[tilespmem:$0xCC80] =	vst v63  }
0x4f: {  	s16 =	simm.s32 $0x580  }
0x50: {  	[spmem:s3] =	stream.indirect.scatter.add.f32 [tilespmem:s8], [sflag:$0x1], $0x80, s16, s11, $0xb8;
	[tilespmem:$0xCC80] =	vst v63  }
0x51: {  	s17 =	simm.s32 $0x600  }
0x52: {  	[spmem:s3] =	stream.indirect.scatter.add.f32 [tilespmem:s8], [sflag:$0x1], $0x80, s17, s11, $0xb8;
	[tilespmem:$0xCC80] =	vst v63  }
0x53: {  	s18 =	simm.s32 $0x680  }
0x54: {  	[spmem:s3] =	stream.indirect.scatter.add.f32 [tilespmem:s8], [sflag:$0x1], $0x80, s18, s11, $0xb8;
	[tilespmem:$0xCC80] =	vst v63  }
0x55: {  	s19 =	simm.s32 $0x700  }
0x56: {  	[spmem:s3] =	stream.indirect.scatter.add.f32 [tilespmem:s8], [sflag:$0x1], $0x80, s19, s11, $0xb8;
	[tilespmem:$0xCC80] =	vst v63  }
0x57: {  	s20 =	simm.s32 $0x780  }
0x58: {  	[spmem:s3] =	stream.indirect.scatter.add.f32 [tilespmem:s8], [sflag:$0x1], $0x80, s20, s11, $0xb8;
	[tilespmem:$0xCC80] =	vst v63  }
0x59: {  	s21 =	simm.s32 $0x800  }
0x5a: {  	[spmem:s3] =	stream.indirect.scatter.add.f32 [tilespmem:s8], [sflag:$0x1], $0x80, s21, s11, $0xb8;
	[tilespmem:$0xCC80] =	vst v63  }
0x5b: {  	s22 =	simm.s32 $0x880  }
0x5c: {  	[spmem:s3] =	stream.indirect.scatter.add.f32 [tilespmem:s8], [sflag:$0x1], $0x80, s22, s11, $0xb8;
	[tilespmem:$0xCC80] =	vst v63  }
0x5d: {  	s23 =	simm.s32 $0x900  }
0x5e: {  	[spmem:s3] =	stream.indirect.scatter.add.f32 [tilespmem:s8], [sflag:$0x1], $0x80, s23, s11, $0xb8;
	[tilespmem:$0xCC80] =	vst v63  }
0x5f: {  	s24 =	simm.s32 $0x980  }
0x60: {  	[spmem:s3] =	stream.indirect.scatter.add.f32 [tilespmem:s8], [sflag:$0x1], $0x80, s24, s11, $0xb8;
	[tilespmem:$0xCC80] =	vst v63  }
0x61: {  	s25 =	simm.s32 $0xA00  }
0x62: {  	[spmem:s3] =	stream.indirect.scatter.add.f32 [tilespmem:s8], [sflag:$0x1], $0x80, s25, s11, $0xb8;
	[tilespmem:$0xCC80] =	vst v63  }
0x63: {  	s26 =	simm.s32 $0xA80  }
0x64: {  	[spmem:s3] =	stream.indirect.scatter.add.f32 [tilespmem:s8], [sflag:$0x1], $0x80, s26, s11, $0xb8;
	[tilespmem:$0xCC80] =	vst v63  }
0x65: {  	s28 =	simm.s32 $0xB00  }
0x66: {  	[spmem:s3] =	stream.indirect.scatter.add.f32 [tilespmem:s8], [sflag:$0x1], $0x80, s28, s11, $0xb8;
	[tilespmem:$0xCC80] =	vst v63  }
0x67: {  	s29 =	simm.s32 $0xB80;
	s30 =	simm.s32 $0x1  }
0x68: {  	[spmem:s3] =	stream.indirect.scatter.add.f32 [tilespmem:s8], [sflag:$0x1], $0x80, s29, s11, $0xb8;
	[tilespmem:$0xCC80] =	vst v63  }
0x69: {  	_ =	swait.ge [sflag:s30], $0x4000  }
0x6a: {  	[sflag:s30] =	ssyncset.done $0x0  }
0x6b: {  	[sflag:s30] =	ssyncadd.s32 $0xFFFFC000  }
0x6c: {  	_ =	swait.ge [sflag:s30], $0x4000  }
0x6d: {  	[sflag:s30] =	ssyncset.done $0x0  }
0x6e: {  	[sflag:s30] =	ssyncadd.s32 $0xFFFFC000  }
0x6f: {  	_ =	swait.ge [sflag:s30], $0x4000  }
0x70: {  	[sflag:s30] =	ssyncset.done $0x0  }
0x71: {  	[sflag:s30] =	ssyncadd.s32 $0xFFFFC000  }
0x72: {  	_ =	swait.ge [sflag:s30], $0x4000  }
0x73: {  	[sflag:s30] =	ssyncset.done $0x0  }
0x74: {  	[sflag:s30] =	ssyncadd.s32 $0xFFFFC000  }
0x75: {  	_ =	swait.ge [sflag:s30], $0x4000  }
0x76: {  	[sflag:s30] =	ssyncset.done $0x0  }
0x77: {  	[sflag:s30] =	ssyncadd.s32 $0xFFFFC000  }
0x78: {  	_ =	swait.ge [sflag:s30], $0x4000  }
0x79: {  	[sflag:s30] =	ssyncset.done $0x0  }
0x7a: {  	[sflag:s30] =	ssyncadd.s32 $0xFFFFC000  }
0x7b: {  	_ =	swait.ge [sflag:s30], $0x4000  }
0x7c: {  	[sflag:s30] =	ssyncset.done $0x0  }
0x7d: {  	[sflag:s30] =	ssyncadd.s32 $0xFFFFC000  }
0x7e: {  	_ =	swait.ge [sflag:s30], $0x4000  }
0x7f: {  	[sflag:s30] =	ssyncset.done $0x0  }
0x80: {  	[sflag:s30] =	ssyncadd.s32 $0xFFFFC000  }
0x81: {  	_ =	swait.ge [sflag:s30], $0x4000  }
0x82: {  	[sflag:s30] =	ssyncset.done $0x0  }
0x83: {  	[sflag:s30] =	ssyncadd.s32 $0xFFFFC000  }
0x84: {  	_ =	swait.ge [sflag:s30], $0x4000  }
0x85: {  	[sflag:s30] =	ssyncset.done $0x0  }
0x86: {  	[sflag:s30] =	ssyncadd.s32 $0xFFFFC000  }
0x87: {  	_ =	swait.ge [sflag:s30], $0x4000  }
0x88: {  	[sflag:s30] =	ssyncset.done $0x0  }
0x89: {  	[sflag:s30] =	ssyncadd.s32 $0xFFFFC000  }
0x8a: {  	_ =	swait.ge [sflag:s30], $0x4000  }
0x8b: {  	[sflag:s30] =	ssyncset.done $0x0  }
0x8c: {  	[sflag:s30] =	ssyncadd.s32 $0xFFFFC000  }
0x8d: {  	_ =	swait.ge [sflag:s30], $0x4000  }
0x8e: {  	[sflag:s30] =	ssyncset.done $0x0  }
0x8f: {  	[sflag:s30] =	ssyncadd.s32 $0xFFFFC000  }
0x90: {  	_ =	swait.ge [sflag:s30], $0x4000  }
0x91: {  	[sflag:s30] =	ssyncset.done $0x0  }
0x92: {  	[sflag:s30] =	ssyncadd.s32 $0xFFFFC000  }
0x93: {  	_ =	swait.ge [sflag:s30], $0x4000  }
0x94: {  	[sflag:s30] =	ssyncset.done $0x0  }
0x95: {  	[sflag:s30] =	ssyncadd.s32 $0xFFFFC000  }
0x96: {  	_ =	swait.ge [sflag:s30], $0x4000  }
0x97: {  	[sflag:s30] =	ssyncset.done $0x0  }
0x98: {  	[sflag:s30] =	ssyncadd.s32 $0xFFFFC000  }
0x99: {  	_ =	swait.ge [sflag:s30], $0x4000  }
0x9a: {  	[sflag:s30] =	ssyncset.done $0x0  }
0x9b: {  	[sflag:s30] =	ssyncadd.s32 $0xFFFFC000  }
0x9c: {  	_ =	swait.ge [sflag:s30], $0x4000  }
0x9d: {  	[sflag:s30] =	ssyncset.done $0x0  }
0x9e: {  	[sflag:s30] =	ssyncadd.s32 $0xFFFFC000  }
0x9f: {  	_ =	swait.ge [sflag:s30], $0x4000  }
0xa0: {  	[sflag:s30] =	ssyncset.done $0x0  }
0xa1: {  	[sflag:s30] =	ssyncadd.s32 $0xFFFFC000  }
0xa2: {  	_ =	swait.ge [sflag:s30], $0x4000  }
0xa3: {  	[sflag:s30] =	ssyncset.done $0x0  }
0xa4: {  	[sflag:s30] =	ssyncadd.s32 $0xFFFFC000  }
0xa5: {  	_ =	swait.ge [sflag:s30], $0x4000  }
0xa6: {  	[sflag:s30] =	ssyncset.done $0x0  }
0xa7: {  	[sflag:s30] =	ssyncadd.s32 $0xFFFFC000  }
0xa8: {  	_ =	swait.ge [sflag:s30], $0x4000  }
0xa9: {  	[sflag:s30] =	ssyncset.done $0x0  }
0xaa: {  	[sflag:s30] =	ssyncadd.s32 $0xFFFFC000  }
0xab: {  	_ =	swait.ge [sflag:s30], $0x4000  }
0xac: {  	[sflag:s30] =	ssyncset.done $0x0  }
0xad: {  	[sflag:s30] =	ssyncadd.s32 $0xFFFFC000  }
0xae: {  	_ =	swait.ge [sflag:s30], $0x4000  }
0xaf: {  	[sflag:s30] =	ssyncset.done $0x0  }
0xb0: {  	s1 =	ssub.s32 $0x2, s1;
	[sflag:s30] =	ssyncadd.s32 $0xFFFFC000  }
0xb1: {  	s0 =	sshrl.u32 s1, $0x1;
	[bflag:$0x0] =	sbarrier.arrive $0xFFFF  }
0xb2: {  	s0 =	ssub.s32 s1, s0;
	s31 =	rddreg [dreg:$0x9]  }
0xb3: {  	[hbm:s31], [sflag:s5] =	dma.local [spmem:s7], $0xC00  }
0xb4: {  	s0 =	smax.u32 s0, $0x1;
	_ =	swait.ge [sflag:s6], $0xC00  }
0xb5: {  	p0 =	sne.s32 s0, $0x1;
	[sflag:s6] =	ssyncset.done $0x0  }
.Ltmp0:
0xb6: {  	s31 =	simm.s32 $0x2;
	[sflag:s6] =	ssyncadd.s32 $0xFFFFF400;
	(pc) =	sbr.rel @!p0 .LBB2_2-.Ltmp0, $4  }
0xb7: {  	_ =	swait.ge [sflag:s31], $0x2000  }
0xb8: {  	[sflag:s31] =	ssyncset.done $0x0  }
0xb9: {  	s1 =	sadd.s32 $0xFFFFFFFF, s0;
	s12 =	rddreg [dreg:$0xa];
	[sflag:s31] =	ssyncadd.s32 $0xFFFFE000  }
0xba: {  	[hbm4b:s12+s4] =	stream.linear.scatter [tilespmem:s9], [sflag:$0x3], $0x2000, $0x38;
	[tilespmem:$0xCC80] =	vst v63  }
.LBB2_1:
0xbb: {  	_ =	swait.ge [sflag:s6], $0x2000  }
0xbc: {  	[sflag:s6] =	ssyncset.done $0x0  }
0xbd: {  	s0 =	rddreg [dreg:$0x6];
	[sflag:s6] =	ssyncadd.s32 $0xFFFFE000  }
0xbe: {  	[spmem:s7], [sflag:s5] =	dma.local [hbm:s0], $0xC00  }
0xbf: {  	_ =	swait.ge [sflag:s6], $0xC00  }
0xc0: {  	[sflag:s6] =	ssyncset.done $0x0  }
0xc1: {  	s12 =	rddreg [dreg:$0x5];
	[sflag:s6] =	ssyncadd.s32 $0xFFFFF400  }
0xc2: {  	[tilespmem:s8], [sflag:$0x3] =	stream.linear.gather [hbm4b:s12+s4], $0x4000, $0x38;
	[tilespmem:$0xCC80] =	vst v63  }
0xc3: {  	_ =	swait.ge [sflag:s6], $0x4000  }
0xc4: {  	[sflag:s6] =	ssyncset.done $0x0  }
0xc5: {  	s12 =	rddreg [dreg:$0x7];
	[sflag:s6] =	ssyncadd.s32 $0xFFFFC000  }
0xc6: {  	[tilespmem:s4], [sflag:$0x3] =	stream.linear.gather [hbm4b:s12+s4], $0xC00, $0x38;
	[tilespmem:$0xCC80] =	vst v63  }
0xc7: {  	_ =	swait.ge [sflag:s6], $0xC00  }
0xc8: {  	[sflag:s6] =	ssyncset.done $0x0;
	s0 =	rddreg [dreg:$0x8]  }
0xc9: {  	s12 =	rddreg [dreg:$0xb];
	[sflag:s6] =	ssyncadd.s32 $0xFFFFF400  }
0xca: {  	[tilespmem:s12], [sflag:$0x3] =	stream.linear.gather [hbm4b:s0+s4], $0x10, $0x38;
	[tilespmem:$0xCC80] =	vst v63  }
0xcb: {  	_ =	swait.ge [sflag:s6], $0x10  }
0xcc: {  	[sflag:s6] =	ssyncset.done $0x0  }
0xcd: {  	[sflag:s6] =	ssyncadd.s32 $0xFFFFFFF0  }
0xce: {  	v3 =	vld [tilespmem:$0x4C00];
	_ =	sdelay $0x4  }
0xcf: {  	v4 =	vshll.u32 v3, $0x2  }
0xd0: {  	v3 =	vand.u32 $0x7, v3;
	v4 =	vand.u32 $0xFFFFFFE0, v4  }
0xd1: {  	v3 =	vor.u32 v3, v4  }
0xd2: {  	v4 =	vperm.xlane v3, v0;
	_ =	sdelay $0x1  }
0xd3: {  	v4 =	vadd.s32 v1, v4;
	_ =	sdelay $0x1  }
0xd4: {  	v3 =	vperm.xlane v3, v2;
	_ =	sdelay $0x1  }
0xd5: {  	v3 =	vadd.s32 v1, v3  }
0xd6: {  	[tilespmem:s9], [sflag:$0x2] =	stream.indirect_vreg.gather [hbm4b:s2+s4], $0x80, v4, vm0, $0xb8;
	[tilespmem:$0xCC80] =	vst v63  }
0xd7: {  	s0 =	rddreg [dreg:$0xc]  }
0xd8: {  	[tilespmem:s0], [sflag:$0x2] =	stream.indirect_vreg.gather [hbm4b:s10+s4], $0x80, v4, vm0, $0xb8;
	[tilespmem:$0xCC80] =	vst v63  }
0xd9: {  	s12 =	rddreg [dreg:$0xd]  }
0xda: {  	[tilespmem:s12], [sflag:$0x2] =	stream.indirect_vreg.gather [hbm4b:s2+s4], $0x80, v3, vm0, $0xb8;
	[tilespmem:$0xCC80] =	vst v63  }
0xdb: {  	s0 =	rddreg [dreg:$0xe]  }
0xdc: {  	[tilespmem:s0], [sflag:$0x2] =	stream.indirect_vreg.gather [hbm4b:s10+s4], $0x80, v3, vm0, $0xb8;
	[tilespmem:$0xCC80] =	vst v63  }
0xdd: {  	[bflag:$0x0] =	sbarrier.arrive $0xFFFF  }
0xde: {  	[spmem:s3] =	stream.indirect.scatter.add.f32 [tilespmem:s8], [sflag:$0x1], $0x80, s4, s11, $0xb8;
	[tilespmem:$0xCC80] =	vst v63  }
0xdf: {  	_ = 	snop  }
0xe0: {  	[spmem:s3] =	stream.indirect.scatter.add.f32 [tilespmem:s8], [sflag:$0x1], $0x80, s11, s11, $0xb8;
	[tilespmem:$0xCC80] =	vst v63  }
0xe1: {  	s0 =	rddreg [dreg:$0xf]  }
0xe2: {  	[spmem:s3] =	stream.indirect.scatter.add.f32 [tilespmem:s8], [sflag:$0x1], $0x80, s0, s11, $0xb8;
	[tilespmem:$0xCC80] =	vst v63  }
0xe3: {  	s12 =	rddreg [dreg:$0x10]  }
0xe4: {  	[spmem:s3] =	stream.indirect.scatter.add.f32 [tilespmem:s8], [sflag:$0x1], $0x80, s12, s11, $0xb8;
	[tilespmem:$0xCC80] =	vst v63  }
0xe5: {  	s0 =	rddreg [dreg:$0x11]  }
0xe6: {  	[spmem:s3] =	stream.indirect.scatter.add.f32 [tilespmem:s8], [sflag:$0x1], $0x80, s0, s11, $0xb8;
	[tilespmem:$0xCC80] =	vst v63  }
0xe7: {  	s12 =	rddreg [dreg:$0x12]  }
0xe8: {  	[spmem:s3] =	stream.indirect.scatter.add.f32 [tilespmem:s8], [sflag:$0x1], $0x80, s12, s11, $0xb8;
	[tilespmem:$0xCC80] =	vst v63  }
0xe9: {  	s0 =	rddreg [dreg:$0x13]  }
0xea: {  	[spmem:s3] =	stream.indirect.scatter.add.f32 [tilespmem:s8], [sflag:$0x1], $0x80, s0, s11, $0xb8;
	[tilespmem:$0xCC80] =	vst v63  }
0xeb: {  	s12 =	simm.s32 $0x380  }
0xec: {  	[spmem:s3] =	stream.indirect.scatter.add.f32 [tilespmem:s8], [sflag:$0x1], $0x80, s12, s11, $0xb8;
	[tilespmem:$0xCC80] =	vst v63  }
0xed: {  	_ = 	snop  }
0xee: {  	[spmem:s3] =	stream.indirect.scatter.add.f32 [tilespmem:s8], [sflag:$0x1], $0x80, s13, s11, $0xb8;
	[tilespmem:$0xCC80] =	vst v63  }
0xef: {  	_ = 	snop  }
0xf0: {  	[spmem:s3] =	stream.indirect.scatter.add.f32 [tilespmem:s8], [sflag:$0x1], $0x80, s14, s11, $0xb8;
	[tilespmem:$0xCC80] =	vst v63  }
0xf1: {  	_ = 	snop  }
0xf2: {  	[spmem:s3] =	stream.indirect.scatter.add.f32 [tilespmem:s8], [sflag:$0x1], $0x80, s15, s11, $0xb8;
	[tilespmem:$0xCC80] =	vst v63  }
0xf3: {  	_ = 	snop  }
0xf4: {  	[spmem:s3] =	stream.indirect.scatter.add.f32 [tilespmem:s8], [sflag:$0x1], $0x80, s16, s11, $0xb8;
	[tilespmem:$0xCC80] =	vst v63  }
0xf5: {  	_ = 	snop  }
0xf6: {  	[spmem:s3] =	stream.indirect.scatter.add.f32 [tilespmem:s8], [sflag:$0x1], $0x80, s17, s11, $0xb8;
	[tilespmem:$0xCC80] =	vst v63  }
0xf7: {  	_ = 	snop  }
0xf8: {  	[spmem:s3] =	stream.indirect.scatter.add.f32 [tilespmem:s8], [sflag:$0x1], $0x80, s18, s11, $0xb8;
	[tilespmem:$0xCC80] =	vst v63  }
0xf9: {  	_ = 	snop  }
0xfa: {  	[spmem:s3] =	stream.indirect.scatter.add.f32 [tilespmem:s8], [sflag:$0x1], $0x80, s19, s11, $0xb8;
	[tilespmem:$0xCC80] =	vst v63  }
0xfb: {  	_ = 	snop  }
0xfc: {  	[spmem:s3] =	stream.indirect.scatter.add.f32 [tilespmem:s8], [sflag:$0x1], $0x80, s20, s11, $0xb8;
	[tilespmem:$0xCC80] =	vst v63  }
0xfd: {  	_ = 	snop  }
0xfe: {  	[spmem:s3] =	stream.indirect.scatter.add.f32 [tilespmem:s8], [sflag:$0x1], $0x80, s21, s11, $0xb8;
	[tilespmem:$0xCC80] =	vst v63  }
0xff: {  	_ = 	snop  }
0x100: {  	[spmem:s3] =	stream.indirect.scatter.add.f32 [tilespmem:s8], [sflag:$0x1], $0x80, s22, s11, $0xb8;
	[tilespmem:$0xCC80] =	vst v63  }
0x101: {  	_ = 	snop  }
0x102: {  	[spmem:s3] =	stream.indirect.scatter.add.f32 [tilespmem:s8], [sflag:$0x1], $0x80, s23, s11, $0xb8;
	[tilespmem:$0xCC80] =	vst v63  }
0x103: {  	_ = 	snop  }
0x104: {  	[spmem:s3] =	stream.indirect.scatter.add.f32 [tilespmem:s8], [sflag:$0x1], $0x80, s24, s11, $0xb8;
	[tilespmem:$0xCC80] =	vst v63  }
0x105: {  	_ = 	snop  }
0x106: {  	[spmem:s3] =	stream.indirect.scatter.add.f32 [tilespmem:s8], [sflag:$0x1], $0x80, s25, s11, $0xb8;
	[tilespmem:$0xCC80] =	vst v63  }
0x107: {  	_ = 	snop  }
0x108: {  	[spmem:s3] =	stream.indirect.scatter.add.f32 [tilespmem:s8], [sflag:$0x1], $0x80, s26, s11, $0xb8;
	[tilespmem:$0xCC80] =	vst v63  }
0x109: {  	_ = 	snop  }
0x10a: {  	[spmem:s3] =	stream.indirect.scatter.add.f32 [tilespmem:s8], [sflag:$0x1], $0x80, s28, s11, $0xb8;
	[tilespmem:$0xCC80] =	vst v63  }
0x10b: {  	_ = 	snop  }
0x10c: {  	[spmem:s3] =	stream.indirect.scatter.add.f32 [tilespmem:s8], [sflag:$0x1], $0x80, s29, s11, $0xb8;
	[tilespmem:$0xCC80] =	vst v63  }
0x10d: {  	_ =	swait.ge [sflag:s30], $0x4000  }
0x10e: {  	[sflag:s30] =	ssyncset.done $0x0  }
0x10f: {  	[sflag:s30] =	ssyncadd.s32 $0xFFFFC000  }
0x110: {  	_ =	swait.ge [sflag:s30], $0x4000  }
0x111: {  	[sflag:s30] =	ssyncset.done $0x0  }
0x112: {  	[sflag:s30] =	ssyncadd.s32 $0xFFFFC000  }
0x113: {  	_ =	swait.ge [sflag:s30], $0x4000  }
0x114: {  	[sflag:s30] =	ssyncset.done $0x0  }
0x115: {  	[sflag:s30] =	ssyncadd.s32 $0xFFFFC000  }
0x116: {  	_ =	swait.ge [sflag:s30], $0x4000  }
0x117: {  	[sflag:s30] =	ssyncset.done $0x0  }
0x118: {  	[sflag:s30] =	ssyncadd.s32 $0xFFFFC000  }
0x119: {  	_ =	swait.ge [sflag:s30], $0x4000  }
0x11a: {  	[sflag:s30] =	ssyncset.done $0x0  }
0x11b: {  	[sflag:s30] =	ssyncadd.s32 $0xFFFFC000  }
0x11c: {  	_ =	swait.ge [sflag:s30], $0x4000  }
0x11d: {  	[sflag:s30] =	ssyncset.done $0x0  }
0x11e: {  	[sflag:s30] =	ssyncadd.s32 $0xFFFFC000  }
0x11f: {  	_ =	swait.ge [sflag:s30], $0x4000  }
0x120: {  	[sflag:s30] =	ssyncset.done $0x0  }
0x121: {  	[sflag:s30] =	ssyncadd.s32 $0xFFFFC000  }
0x122: {  	_ =	swait.ge [sflag:s30], $0x4000  }
0x123: {  	[sflag:s30] =	ssyncset.done $0x0  }
0x124: {  	[sflag:s30] =	ssyncadd.s32 $0xFFFFC000  }
0x125: {  	_ =	swait.ge [sflag:s30], $0x4000  }
0x126: {  	[sflag:s30] =	ssyncset.done $0x0  }
0x127: {  	[sflag:s30] =	ssyncadd.s32 $0xFFFFC000  }
0x128: {  	_ =	swait.ge [sflag:s30], $0x4000  }
0x129: {  	[sflag:s30] =	ssyncset.done $0x0  }
0x12a: {  	[sflag:s30] =	ssyncadd.s32 $0xFFFFC000  }
0x12b: {  	_ =	swait.ge [sflag:s30], $0x4000  }
0x12c: {  	[sflag:s30] =	ssyncset.done $0x0  }
0x12d: {  	[sflag:s30] =	ssyncadd.s32 $0xFFFFC000  }
0x12e: {  	_ =	swait.ge [sflag:s30], $0x4000  }
0x12f: {  	[sflag:s30] =	ssyncset.done $0x0  }
0x130: {  	[sflag:s30] =	ssyncadd.s32 $0xFFFFC000  }
0x131: {  	_ =	swait.ge [sflag:s30], $0x4000  }
0x132: {  	[sflag:s30] =	ssyncset.done $0x0  }
0x133: {  	[sflag:s30] =	ssyncadd.s32 $0xFFFFC000  }
0x134: {  	_ =	swait.ge [sflag:s30], $0x4000  }
0x135: {  	[sflag:s30] =	ssyncset.done $0x0  }
0x136: {  	[sflag:s30] =	ssyncadd.s32 $0xFFFFC000  }
0x137: {  	_ =	swait.ge [sflag:s30], $0x4000  }
0x138: {  	[sflag:s30] =	ssyncset.done $0x0  }
0x139: {  	[sflag:s30] =	ssyncadd.s32 $0xFFFFC000  }
0x13a: {  	_ =	swait.ge [sflag:s30], $0x4000  }
0x13b: {  	[sflag:s30] =	ssyncset.done $0x0  }
0x13c: {  	[sflag:s30] =	ssyncadd.s32 $0xFFFFC000  }
0x13d: {  	_ =	swait.ge [sflag:s30], $0x4000  }
0x13e: {  	[sflag:s30] =	ssyncset.done $0x0  }
0x13f: {  	[sflag:s30] =	ssyncadd.s32 $0xFFFFC000  }
0x140: {  	_ =	swait.ge [sflag:s30], $0x4000  }
0x141: {  	[sflag:s30] =	ssyncset.done $0x0  }
0x142: {  	[sflag:s30] =	ssyncadd.s32 $0xFFFFC000  }
0x143: {  	_ =	swait.ge [sflag:s30], $0x4000  }
0x144: {  	[sflag:s30] =	ssyncset.done $0x0  }
0x145: {  	[sflag:s30] =	ssyncadd.s32 $0xFFFFC000  }
0x146: {  	_ =	swait.ge [sflag:s30], $0x4000  }
0x147: {  	[sflag:s30] =	ssyncset.done $0x0  }
0x148: {  	[sflag:s30] =	ssyncadd.s32 $0xFFFFC000  }
0x149: {  	_ =	swait.ge [sflag:s30], $0x4000  }
0x14a: {  	[sflag:s30] =	ssyncset.done $0x0  }
0x14b: {  	[sflag:s30] =	ssyncadd.s32 $0xFFFFC000  }
0x14c: {  	_ =	swait.ge [sflag:s30], $0x4000  }
0x14d: {  	[sflag:s30] =	ssyncset.done $0x0  }
0x14e: {  	[sflag:s30] =	ssyncadd.s32 $0xFFFFC000  }
0x14f: {  	_ =	swait.ge [sflag:s30], $0x4000  }
0x150: {  	[sflag:s30] =	ssyncset.done $0x0  }
0x151: {  	[sflag:s30] =	ssyncadd.s32 $0xFFFFC000  }
0x152: {  	_ =	swait.ge [sflag:s30], $0x4000  }
0x153: {  	[sflag:s30] =	ssyncset.done $0x0  }
0x154: {  	[sflag:s30] =	ssyncadd.s32 $0xFFFFC000  }
0x155: {  	[bflag:$0x0] =	sbarrier.arrive $0xFFFF  }
0x156: {  	s12 =	rddreg [dreg:$0x9]  }
0x157: {  	[hbm:s12], [sflag:s5] =	dma.local [spmem:s7], $0xC00  }
0x158: {  	_ =	swait.ge [sflag:s6], $0xC00  }
0x159: {  	p0 =	sne.s32 s1, $0x1;
	[sflag:s6] =	ssyncset.done $0x0  }
.Ltmp1:
0x15a: {  	[sflag:s6] =	ssyncadd.s32 $0xFFFFF400;
	(pc) =	sbr.rel @p0 .LBB2_1-.Ltmp1, $4  }
0x15b: {  	_ =	swait.ge [sflag:s31], $0x2000  }
0x15c: {  	[sflag:s31] =	ssyncset.done $0x0  }
0x15d: {  	s1 =	sadd.s32 $0xFFFFFFFF, s1;
	s12 =	rddreg [dreg:$0xa];
	[sflag:s31] =	ssyncadd.s32 $0xFFFFE000  }
0x15e: {  	[hbm4b:s12+s4] =	stream.linear.scatter [tilespmem:s9], [sflag:$0x3], $0x2000, $0x38;
	[tilespmem:$0xCC80] =	vst v63  }
.LBB2_2:
0x15f: {  	_ =	swait.ge [sflag:s6], $0x2000  }
0x160: {  	[sflag:s6] =	ssyncset.done $0x0  }
0x161: {  	[sflag:s6] =	ssyncadd.s32 $0xFFFFE000  }
0x162: {  	_ =	sfence.sel $0x180000  }
0x163: {  	[bflag:$0x0] =	sbarrier.arrive $0xFFFF  }
0x164: {  	_ =	strace $0x90000047  }
0x165: {  	s0 =	stileid.u32;
	[bflag:$0x2] =	sbarrier.arrive $0xFFFF  }
0x166: {  	p0 =	sne.s32 s0, $0x0;
	s0 =	rddreg [dreg:$0x4]  }
0x167: {  	s0 =	sadd.s32 @!p0 $0x100000, s0  }
0x168: {  	[sflag:s0] =	ssyncadd.tile.s32 @!p0 $0x1;
	_ =	shalt  }
.Lfunc_end2:
_tile_overlayer_lowered:
.L_overlay_start_2:
0x169: {  	(tag) =	ssettag $0x2  }
0x16a: {  	s0 =	rddreg [dreg:$0x0];
	s2 =	stileid.u32  }
0x16b: {  	s1 =	rddreg [dreg:$0x1];
	p0 =	sne.s32 s2, $0x0  }
0x16c: {  	s3 =	rddreg [dreg:$0x2];
	[bflag:$0x3] =	sbarrier.arrive $0xFFFF;
	s2 =	simm.s32 @!p0 $0x1C03  }
0x16d: {  	[timem:s3], [sflag:s2] =	dma.local @!p0 [hbm:s0], s1  }
0x16e: {  	s0 =	simm.s32 @!p0 $0x3  }
0x16f: {  	_ =	swait.ge @!p0 [sflag:s0], s1  }
0x170: {  	s1 =	ssub.s32 @!p0 $0x0, s1;
	[sflag:s0] =	ssyncset.done @!p0 $0x0  }
0x171: {  	[sflag:s0] =	ssyncadd.s32 @!p0 s1  }
0x172: {  	[bflag:$0x3] =	sbarrier.arrive $0xFFFF  }
0x173: {  	_ =	shalt  }

</sc_bundles>
